<compile_context>
chip_gen: v7x
topology: tpu7x:2x2x1
jax: 0.10.2.dev20260603
libtpu: 0.0.44.dev20260713+nightly
codegen_flags: <defaults>
</compile_context>

<pallas_src>
import functools

import jax
import jax.numpy as jnp
from jax import lax
from jax.experimental import pallas as pl
from jax.experimental.pallas import tpu as pltpu
import jax.experimental.pallas.tpu_sc as plsc

N_NODES = 10000
N_PAD = 10240
N_EDGES = 320000
DIM = 128
D_EXT = 144
AUX = D_EXT - DIM
SLOPE = 0.1

N_WORKERS = 32
E_PER_W = N_EDGES // N_WORKERS
BLK = 80
N_BLK = E_PER_W // BLK
ROWS_PER_TILE = N_NODES // 16

RB_A = 2048
GRID_A = N_PAD // RB_A
EB_A = N_EDGES // GRID_A
RB_C = 2000
GRID_C = N_NODES // RB_C


def _prep_body(x_ref, w_ref, b_ref, a1_ref, a2_ref,
               ext_ref, s1_ref):
    x = x_ref[...]
    w = w_ref[...]
    emb = lax.dot_general(x, w, (((1,), (1,)), ((), ())),
                          preferred_element_type=jnp.float32)
    emb = emb + b_ref[...]
    s1 = jnp.sum(emb * a1_ref[...], axis=1)
    s1_ref[...] = s1.reshape(RB_A // 128, 128)
    s2 = jnp.sum(emb * a2_ref[...], axis=1, keepdims=True)
    nb = emb.shape[0]
    ones = jnp.ones((nb, 1), jnp.float32)
    zpad = jnp.zeros((nb, AUX - 2), jnp.float32)
    ext_ref[...] = jnp.concatenate([emb, ones, s2, zpad], axis=1)


_prep = pl.pallas_call(
    _prep_body,
    grid=(GRID_A,),
    in_specs=[
        pl.BlockSpec((RB_A, DIM), lambda i: (i, 0)),
        pl.BlockSpec((DIM, DIM), lambda i: (0, 0)),
        pl.BlockSpec((1, DIM), lambda i: (0, 0)),
        pl.BlockSpec((1, DIM), lambda i: (0, 0)),
        pl.BlockSpec((1, DIM), lambda i: (0, 0)),
    ],
    out_specs=[
        pl.BlockSpec((RB_A, D_EXT), lambda i: (i, 0)),
        pl.BlockSpec((RB_A // 128, 128), lambda i: (i, 0)),
    ],
    out_shape=[
        jax.ShapeDtypeStruct((N_PAD, D_EXT), jnp.float32),
        jax.ShapeDtypeStruct((N_PAD // 128, 128), jnp.float32),
    ],
)


_sc_mesh = plsc.VectorSubcoreMesh(core_axis_name="c", subcore_axis_name="s")


@functools.partial(
    pl.kernel,
    out_type=[
        jax.ShapeDtypeStruct((2, N_NODES, DIM), jnp.float32),
        jax.ShapeDtypeStruct((2, N_NODES, DIM), jnp.float32),
    ],
    mesh=_sc_mesh,
    scratch_types=[
        pltpu.VMEM((4, BLK), jnp.int32),
        pltpu.VMEM((4, BLK), jnp.int32),
        pltpu.VMEM((N_PAD,), jnp.float32),
        pltpu.VMEM((2, BLK, D_EXT), jnp.float32),
        pltpu.VMEM((BLK,), jnp.float32),
        pltpu.VMEM_SHARED((N_NODES, D_EXT), jnp.float32),
        pltpu.SemaphoreType.DMA((4,)),
        pltpu.SemaphoreType.DMA((4,)),
        pltpu.SemaphoreType.DMA((2,)),
        pltpu.SemaphoreType.DMA((2,)),
    ],
    compiler_params=pltpu.CompilerParams(use_tc_tiling_on_sc=False,
                                         needs_layout_passes=False),
)
def _sc_main(ext_hbm, s1_hbm, zeros_hbm, edges_hbm, res_hbm, rs_hbm,
             src_v, dst_v, s1_v, rows_v, vals_v, acc,
             sem_si, sem_di, sem_g, sem_sc):
    c = lax.axis_index("c")
    s = lax.axis_index("s")
    wid = c * 16 + s

    pltpu.sync_copy(s1_hbm, s1_v)
    rng = pl.ds(s * ROWS_PER_TILE, ROWS_PER_TILE)
    pltpu.sync_copy(zeros_hbm, acc.at[rng])
    plsc.subcore_barrier()

    def _issue_idx(b):
        slot = lax.rem(b, 4)
        off = wid * E_PER_W + b * BLK
        pltpu.async_copy(edges_hbm.at[pl.ds(off, BLK)], src_v.at[slot],
                         sem_si.at[slot])
        pltpu.async_copy(edges_hbm.at[pl.ds(N_EDGES + off, BLK)],
                         dst_v.at[slot], sem_di.at[slot])

    def _wait_idx(b):
        slot = lax.rem(b, 4)
        off = wid * E_PER_W + b * BLK
        pltpu.make_async_copy(edges_hbm.at[pl.ds(off, BLK)], src_v.at[slot],
                              sem_si.at[slot]).wait()
        pltpu.make_async_copy(edges_hbm.at[pl.ds(N_EDGES + off, BLK)],
                              dst_v.at[slot], sem_di.at[slot]).wait()

    def _start_gather(b, rslot):
        islot = lax.rem(b, 4)
        pltpu.async_copy(ext_hbm.at[dst_v.at[islot]], rows_v.at[rslot],
                         sem_g.at[rslot])

    def _wait_gather(b, rslot):
        islot = lax.rem(b, 4)
        pltpu.make_async_copy(ext_hbm.at[dst_v.at[islot]], rows_v.at[rslot],
                              sem_g.at[rslot]).wait()

    def _start_scatter(b, rslot):
        islot = lax.rem(b, 4)
        pltpu.async_copy(rows_v.at[rslot], acc.at[src_v.at[islot]],
                         sem_sc.at[rslot], add=True)

    def _wait_scatter(b, rslot):
        islot = lax.rem(b, 4)
        pltpu.make_async_copy(rows_v.at[rslot], acc.at[src_v.at[islot]],
                              sem_sc.at[rslot]).wait()

    _issue_idx(0)
    _issue_idx(1)
    _wait_idx(0)
    _start_gather(0, 0)

    def _block(b, _):
        slot = lax.rem(b, 2)
        nslot = 1 - slot

        @pl.when(b + 2 < N_BLK)
        def _():
            _issue_idx(b + 2)

        @pl.when(b + 1 < N_BLK)
        def _():
            _wait_idx(b + 1)

            @pl.when(b >= 1)
            def _():
                _wait_scatter(b - 1, nslot)
            _start_gather(b + 1, nslot)

        _wait_gather(b, slot)

        islot = lax.rem(b, 4)
        lane = lax.iota(jnp.int32, 16)
        for g in range(BLK // 16):
            sv = src_v[islot, pl.ds(g * 16, 16)]
            s2v = plsc.load_gather(
                rows_v.at[slot],
                [lane + g * 16, jnp.full((16,), DIM + 1, jnp.int32)])
            logit = plsc.load_gather(s1_v, [sv]) + s2v
            vals_v[pl.ds(g * 16, 16)] = jnp.exp(
                jnp.maximum(logit, logit * SLOPE))

        def _scale(e4, _):
            for u in range(4):
                e = e4 * 4 + u
                vv = plsc.load_gather(vals_v, [jnp.full((16,), e, jnp.int32)])
                for k in range(D_EXT // 16):
                    sl = pl.ds(k * 16, 16)
                    rows_v[slot, e, sl] = rows_v[slot, e, sl] * vv
            return _
        lax.fori_loop(0, BLK // 4, _scale, None, unroll=1)

        _start_scatter(b, slot)
        return _

    lax.fori_loop(0, N_BLK, _block, None)
    _wait_scatter(N_BLK - 1, lax.rem(N_BLK - 1, 2))

    plsc.subcore_barrier()

    pltpu.sync_copy(acc.at[rng, pl.ds(0, DIM)], res_hbm.at[c, rng])
    pltpu.sync_copy(acc.at[rng, pl.ds(DIM, AUX)],
                    rs_hbm.at[c, rng, pl.ds(0, AUX)])


def _combine_body(r0_ref, r1_ref, t0_ref, t1_ref, out_ref):
    tot = r0_ref[0] + r1_ref[0]
    rs = t0_ref[0][:, :1] + t1_ref[0][:, :1]
    out_ref[...] = tot / (rs + 1e-12)


_combine = pl.pallas_call(
    _combine_body,
    grid=(GRID_C,),
    in_specs=[
        pl.BlockSpec((1, RB_C, DIM), lambda i: (0, i, 0)),
        pl.BlockSpec((1, RB_C, DIM), lambda i: (1, i, 0)),
        pl.BlockSpec((1, RB_C, DIM), lambda i: (0, i, 0)),
        pl.BlockSpec((1, RB_C, DIM), lambda i: (1, i, 0)),
    ],
    out_specs=pl.BlockSpec((RB_C, DIM), lambda i: (i, 0)),
    out_shape=jax.ShapeDtypeStruct((N_NODES, DIM), jnp.float32),
)


def kernel(x, edge_index, W, b, a):
    edges = edge_index.astype(jnp.int32).reshape(-1)
    a1 = a[:DIM, 0].reshape(1, DIM)
    a2 = a[DIM:, 0].reshape(1, DIM)
    bb = b.reshape(1, DIM)
    ext, s1_2d = _prep(x, W, bb, a1, a2)
    zeros = jnp.zeros((ROWS_PER_TILE, D_EXT), jnp.float32)
    res, rs = _sc_main(ext, s1_2d.reshape(-1), zeros, edges)
    return _combine(res, res, rs, rs)

# --- scband reference (transcript-rebuilt; emitter-appended) ---
"""Pipeline reference for scband-attention-aggregator-75677323756082 (READ-ONLY COPY).

The authoritative reference and input builder live on the scoring server;
editing this copy changes nothing except your own understanding.
"""

import jax, jax.numpy as jnp
import numpy as np

N_NODES = 10000
N_EDGES = 320000
IN_DIM = 128
OUT_DIM = 128
SLOPE = 0.1


def setup_inputs(seed: int = 0) -> dict:
    key = jax.random.key(seed)
    k1, k2, k3, k4, k5 = jax.random.split(key, 5)
    x = jax.random.normal(k1, (N_NODES, IN_DIM), dtype=jnp.float32)
    edge_index = jax.random.randint(k2, (2, N_EDGES), 0, N_NODES, dtype=jnp.int64)
    # Linear layer params (out_linear_layer): W [out_dim, in_dim], b [out_dim]
    W = jax.random.normal(k3, (OUT_DIM, IN_DIM), dtype=jnp.float32) * (1.0 / np.sqrt(IN_DIM))
    b = jax.random.normal(k4, (OUT_DIM,), dtype=jnp.float32) * 0.01
    # attention vector a: [2*out_dim, 1], scaled small to keep exp() stable
    a = jax.random.normal(k5, (2 * OUT_DIM, 1), dtype=jnp.float32) * (0.05 / np.sqrt(2 * OUT_DIM))
    return {"x": x, "edge_index": edge_index, "W": W, "b": b, "a": a}


def reference(x, edge_index, W, b, a):
    N = x.shape[0]
    # out_linear_layer
    new_embeddings = x @ W.T + b  # [N, out_dim]
    src = edge_index[0]
    dst = edge_index[1]
    # gather endpoint embeddings and concat
    edge_h_2 = jnp.concatenate([new_embeddings[src], new_embeddings[dst]], axis=1)  # [E, 2*out_dim]
    logits = edge_h_2 @ a  # [E, 1]
    edges_h = jnp.exp(jax.nn.leaky_relu(logits, negative_slope=SLOPE))  # [E, 1]
    vals = edges_h[:, 0]  # [E]
    # sparse matmul with ones -> per-row sum of attention values (scatter-add)
    row_sum = jax.ops.segment_sum(vals, src, num_segments=N)[:, None]  # [N, 1]
    # sparse matmul with new_embeddings -> weighted aggregation of dst features into src rows
    results = jax.ops.segment_sum(vals[:, None] * new_embeddings[dst], src, num_segments=N)  # [N, out_dim]
    output_emb = results / (row_sum + 1e-12)
    return output_emb

if __name__ == "__main__":
    import jax
    _d = setup_inputs()
    print(jax.jit(kernel)(*tuple(_d.values())))

</pallas_src>

<mosaic_0001>
#map = affine_map<(d0, d1) -> (0, 0)>
#map1 = affine_map<(d0, d1) -> (0)>
#map2 = affine_map<(d0, d1) -> (0, 0, 0)>
module attributes {stable_mosaic.version = 14 : i64} {
  func.func @_sc_main(%arg0: i32, %arg1: i32, %arg2: memref<10240x144xf32, #tpu.memory_space<hbm>>, %arg3: memref<10240xf32, #tpu.memory_space<hbm>>, %arg4: memref<625x144xf32, #tpu.memory_space<hbm>>, %arg5: memref<640000xi32, #tpu.memory_space<hbm>>, %arg6: memref<2x10000x128xf32, #tpu.memory_space<hbm>>, %arg7: memref<2x10000x128xf32, #tpu.memory_space<hbm>>, %arg8: memref<4x80xi32, #tpu.memory_space<vmem>>, %arg9: memref<4x80xi32, #tpu.memory_space<vmem>>, %arg10: memref<10240xf32, #tpu.memory_space<vmem>>, %arg11: memref<2x80x144xf32, #tpu.memory_space<vmem>>, %arg12: memref<80xf32, #tpu.memory_space<vmem>>, %arg13: memref<10000x144xf32, #tpu.memory_space<vmem_shared>>, %arg14: memref<4x!tpu.dma_semaphore, #tpu.memory_space<semaphore_mem>>, %arg15: memref<4x!tpu.dma_semaphore, #tpu.memory_space<semaphore_mem>>, %arg16: memref<2x!tpu.dma_semaphore, #tpu.memory_space<semaphore_mem>>, %arg17: memref<2x!tpu.dma_semaphore, #tpu.memory_space<semaphore_mem>>) attributes {dimension_semantics = [#tpu.dimension_semantics<core_parallel>, #tpu.dimension_semantics<subcore_parallel>], iteration_bounds = array<i64: 2, 16>, scalar_prefetch = 0 : i64, scratch_operands = 10 : i64, tpu.core_type = #tpu.core_type<sc_vector_subcore>, window_params = [{transform_indices = #map}, {transform_indices = #map1}, {transform_indices = #map}, {transform_indices = #map1}, {transform_indices = #map2}, {transform_indices = #map2}]} {
    %mul3A = arith.constant 16 : i32
    %mul3A_0 = arith.muli %arg0, %mul3A : i32
    %add3A = arith.addi %mul3A_0, %arg1 : i32
    "tpu.region"() ({
      %run_scoped3A = tpu.sem_alloc : memref<!tpu.dma_semaphore, #tpu.memory_space<semaphore_mem>>
      tpu.enqueue_dma source(%arg3 : memref<10240xf32, #tpu.memory_space<hbm>>) target(%arg10 : memref<10240xf32, #tpu.memory_space<vmem>>) target_semaphore(%run_scoped3A : memref<!tpu.dma_semaphore, #tpu.memory_space<semaphore_mem>>)
      tpu.wait_dma2 semaphore(%run_scoped3A : memref<!tpu.dma_semaphore, #tpu.memory_space<semaphore_mem>>) src(%arg3 : memref<10240xf32, #tpu.memory_space<hbm>>) dst(%arg10 : memref<10240xf32, #tpu.memory_space<vmem>>)
      tpu.yield
    }) : () -> ()
    %mul3A_1 = arith.constant 625 : i32
    %mul3A_2 = arith.muli %arg1, %mul3A_1 : i32
    "tpu.region"() ({
      %run_scoped3A = tpu.sem_alloc : memref<!tpu.dma_semaphore, #tpu.memory_space<semaphore_mem>>
      %dma_start3A_127 = arith.constant 0 : i32
      %dma_start3A_128 = tpu.memref_slice %arg13[%mul3A_2, %dma_start3A_127] : memref<10000x144xf32, #tpu.memory_space<vmem_shared>> -> memref<625x144xf32, #tpu.memory_space<vmem_shared>>
      tpu.enqueue_dma source(%arg4 : memref<625x144xf32, #tpu.memory_space<hbm>>) target(%dma_start3A_128 : memref<625x144xf32, #tpu.memory_space<vmem_shared>>) target_semaphore(%run_scoped3A : memref<!tpu.dma_semaphore, #tpu.memory_space<semaphore_mem>>)
      %dma_wait3A_129 = arith.constant 0 : i32
      %dma_wait3A_130 = tpu.memref_slice %arg13[%mul3A_2, %dma_wait3A_129] : memref<10000x144xf32, #tpu.memory_space<vmem_shared>> -> memref<625x144xf32, #tpu.memory_space<vmem_shared>>
      tpu.wait_dma2 semaphore(%run_scoped3A : memref<!tpu.dma_semaphore, #tpu.memory_space<semaphore_mem>>) src(%arg4 : memref<625x144xf32, #tpu.memory_space<hbm>>) dst(%dma_wait3A_130 : memref<625x144xf32, #tpu.memory_space<vmem_shared>>)
      tpu.yield
    }) : () -> ()
    %barrier3A = arith.constant 0 : index
    tpu.barrier barrier_id(%barrier3A)
    %rem3A = arith.constant 0 : i32
    %rem3A_3 = arith.constant 4 : i32
    %rem3A_4 = arith.remsi %rem3A, %rem3A_3 : i32
    %mul3A_5 = arith.constant 10000 : i32
    %mul3A_6 = arith.muli %add3A, %mul3A_5 : i32
    %add3A_7 = arith.constant 0 : i32
    %add3A_8 = arith.addi %mul3A_6, %add3A_7 : i32
    %dma_start3A = arith.constant 0 : i32
    %dma_start3A_9 = tpu.memref_slice %arg8[%rem3A_4, %dma_start3A] : memref<4x80xi32, #tpu.memory_space<vmem>> -> memref<1x80xi32, #tpu.memory_space<vmem>>
    %dma_start3A_10 = tpu.memref_squeeze %dma_start3A_9 : memref<1x80xi32, #tpu.memory_space<vmem>> -> memref<80xi32, #tpu.memory_space<vmem>>
    %dma_start3A_11 = tpu.memref_slice %arg5[%add3A_8] : memref<640000xi32, #tpu.memory_space<hbm>> -> memref<80xi32, #tpu.memory_space<hbm>>
    %dma_start3A_12 = tpu.memref_slice %arg14[%rem3A_4] : memref<4x!tpu.dma_semaphore, #tpu.memory_space<semaphore_mem>> -> memref<1x!tpu.dma_semaphore, #tpu.memory_space<semaphore_mem>>
    %dma_start3A_13 = tpu.memref_squeeze %dma_start3A_12 : memref<1x!tpu.dma_semaphore, #tpu.memory_space<semaphore_mem>> -> memref<!tpu.dma_semaphore, #tpu.memory_space<semaphore_mem>>
    %dma_start3A_14 = arith.constant 0 : i32
    %dma_start3A_15 = tpu.memref_slice %arg8[%rem3A_4, %dma_start3A_14] : memref<4x80xi32, #tpu.memory_space<vmem>> -> memref<1x80xi32, #tpu.memory_space<vmem>>
    %dma_start3A_16 = tpu.memref_squeeze %dma_start3A_15 : memref<1x80xi32, #tpu.memory_space<vmem>> -> memref<80xi32, #tpu.memory_space<vmem>>
    %dma_start3A_17 = tpu.memref_slice %arg5[%add3A_8] : memref<640000xi32, #tpu.memory_space<hbm>> -> memref<80xi32, #tpu.memory_space<hbm>>
    tpu.enqueue_dma source(%dma_start3A_17 : memref<80xi32, #tpu.memory_space<hbm>>) target(%dma_start3A_16 : memref<80xi32, #tpu.memory_space<vmem>>) target_semaphore(%dma_start3A_13 : memref<!tpu.dma_semaphore, #tpu.memory_space<semaphore_mem>>)
    %add3A_18 = arith.constant 320000 : i32
    %add3A_19 = arith.addi %add3A_18, %add3A_8 : i32
    %dma_start3A_20 = arith.constant 0 : i32
    %dma_start3A_21 = tpu.memref_slice %arg9[%rem3A_4, %dma_start3A_20] : memref<4x80xi32, #tpu.memory_space<vmem>> -> memref<1x80xi32, #tpu.memory_space<vmem>>
    %dma_start3A_22 = tpu.memref_squeeze %dma_start3A_21 : memref<1x80xi32, #tpu.memory_space<vmem>> -> memref<80xi32, #tpu.memory_space<vmem>>
    %dma_start3A_23 = tpu.memref_slice %arg5[%add3A_19] : memref<640000xi32, #tpu.memory_space<hbm>> -> memref<80xi32, #tpu.memory_space<hbm>>
    %dma_start3A_24 = tpu.memref_slice %arg15[%rem3A_4] : memref<4x!tpu.dma_semaphore, #tpu.memory_space<semaphore_mem>> -> memref<1x!tpu.dma_semaphore, #tpu.memory_space<semaphore_mem>>
    %dma_start3A_25 = tpu.memref_squeeze %dma_start3A_24 : memref<1x!tpu.dma_semaphore, #tpu.memory_space<semaphore_mem>> -> memref<!tpu.dma_semaphore, #tpu.memory_space<semaphore_mem>>
    %dma_start3A_26 = arith.constant 0 : i32
    %dma_start3A_27 = tpu.memref_slice %arg9[%rem3A_4, %dma_start3A_26] : memref<4x80xi32, #tpu.memory_space<vmem>> -> memref<1x80xi32, #tpu.memory_space<vmem>>
    %dma_start3A_28 = tpu.memref_squeeze %dma_start3A_27 : memref<1x80xi32, #tpu.memory_space<vmem>> -> memref<80xi32, #tpu.memory_space<vmem>>
    %dma_start3A_29 = tpu.memref_slice %arg5[%add3A_19] : memref<640000xi32, #tpu.memory_space<hbm>> -> memref<80xi32, #tpu.memory_space<hbm>>
    tpu.enqueue_dma source(%dma_start3A_29 : memref<80xi32, #tpu.memory_space<hbm>>) target(%dma_start3A_28 : memref<80xi32, #tpu.memory_space<vmem>>) target_semaphore(%dma_start3A_25 : memref<!tpu.dma_semaphore, #tpu.memory_space<semaphore_mem>>)
    %rem3A_30 = arith.constant 1 : i32
    %rem3A_31 = arith.constant 4 : i32
    %rem3A_32 = arith.remsi %rem3A_30, %rem3A_31 : i32
    %mul3A_33 = arith.constant 10000 : i32
    %mul3A_34 = arith.muli %add3A, %mul3A_33 : i32
    %add3A_35 = arith.constant 80 : i32
    %add3A_36 = arith.addi %mul3A_34, %add3A_35 : i32
    %dma_start3A_37 = arith.constant 0 : i32
    %dma_start3A_38 = tpu.memref_slice %arg8[%rem3A_32, %dma_start3A_37] : memref<4x80xi32, #tpu.memory_space<vmem>> -> memref<1x80xi32, #tpu.memory_space<vmem>>
    %dma_start3A_39 = tpu.memref_squeeze %dma_start3A_38 : memref<1x80xi32, #tpu.memory_space<vmem>> -> memref<80xi32, #tpu.memory_space<vmem>>
    %dma_start3A_40 = tpu.memref_slice %arg5[%add3A_36] : memref<640000xi32, #tpu.memory_space<hbm>> -> memref<80xi32, #tpu.memory_space<hbm>>
    %dma_start3A_41 = tpu.memref_slice %arg14[%rem3A_32] : memref<4x!tpu.dma_semaphore, #tpu.memory_space<semaphore_mem>> -> memref<1x!tpu.dma_semaphore, #tpu.memory_space<semaphore_mem>>
    %dma_start3A_42 = tpu.memref_squeeze %dma_start3A_41 : memref<1x!tpu.dma_semaphore, #tpu.memory_space<semaphore_mem>> -> memref<!tpu.dma_semaphore, #tpu.memory_space<semaphore_mem>>
    %dma_start3A_43 = arith.constant 0 : i32
    %dma_start3A_44 = tpu.memref_slice %arg8[%rem3A_32, %dma_start3A_43] : memref<4x80xi32, #tpu.memory_space<vmem>> -> memref<1x80xi32, #tpu.memory_space<vmem>>
    %dma_start3A_45 = tpu.memref_squeeze %dma_start3A_44 : memref<1x80xi32, #tpu.memory_space<vmem>> -> memref<80xi32, #tpu.memory_space<vmem>>
    %dma_start3A_46 = tpu.memref_slice %arg5[%add3A_36] : memref<640000xi32, #tpu.memory_space<hbm>> -> memref<80xi32, #tpu.memory_space<hbm>>
    tpu.enqueue_dma source(%dma_start3A_46 : memref<80xi32, #tpu.memory_space<hbm>>) target(%dma_start3A_45 : memref<80xi32, #tpu.memory_space<vmem>>) target_semaphore(%dma_start3A_42 : memref<!tpu.dma_semaphore, #tpu.memory_space<semaphore_mem>>)
    %add3A_47 = arith.constant 320000 : i32
    %add3A_48 = arith.addi %add3A_47, %add3A_36 : i32
    %dma_start3A_49 = arith.constant 0 : i32
    %dma_start3A_50 = tpu.memref_slice %arg9[%rem3A_32, %dma_start3A_49] : memref<4x80xi32, #tpu.memory_space<vmem>> -> memref<1x80xi32, #tpu.memory_space<vmem>>
    %dma_start3A_51 = tpu.memref_squeeze %dma_start3A_50 : memref<1x80xi32, #tpu.memory_space<vmem>> -> memref<80xi32, #tpu.memory_space<vmem>>
    %dma_start3A_52 = tpu.memref_slice %arg5[%add3A_48] : memref<640000xi32, #tpu.memory_space<hbm>> -> memref<80xi32, #tpu.memory_space<hbm>>
    %dma_start3A_53 = tpu.memref_slice %arg15[%rem3A_32] : memref<4x!tpu.dma_semaphore, #tpu.memory_space<semaphore_mem>> -> memref<1x!tpu.dma_semaphore, #tpu.memory_space<semaphore_mem>>
    %dma_start3A_54 = tpu.memref_squeeze %dma_start3A_53 : memref<1x!tpu.dma_semaphore, #tpu.memory_space<semaphore_mem>> -> memref<!tpu.dma_semaphore, #tpu.memory_space<semaphore_mem>>
    %dma_start3A_55 = arith.constant 0 : i32
    %dma_start3A_56 = tpu.memref_slice %arg9[%rem3A_32, %dma_start3A_55] : memref<4x80xi32, #tpu.memory_space<vmem>> -> memref<1x80xi32, #tpu.memory_space<vmem>>
    %dma_start3A_57 = tpu.memref_squeeze %dma_start3A_56 : memref<1x80xi32, #tpu.memory_space<vmem>> -> memref<80xi32, #tpu.memory_space<vmem>>
    %dma_start3A_58 = tpu.memref_slice %arg5[%add3A_48] : memref<640000xi32, #tpu.memory_space<hbm>> -> memref<80xi32, #tpu.memory_space<hbm>>
    tpu.enqueue_dma source(%dma_start3A_58 : memref<80xi32, #tpu.memory_space<hbm>>) target(%dma_start3A_57 : memref<80xi32, #tpu.memory_space<vmem>>) target_semaphore(%dma_start3A_54 : memref<!tpu.dma_semaphore, #tpu.memory_space<semaphore_mem>>)
    %rem3A_59 = arith.constant 0 : i32
    %rem3A_60 = arith.constant 4 : i32
    %rem3A_61 = arith.remsi %rem3A_59, %rem3A_60 : i32
    %mul3A_62 = arith.constant 10000 : i32
    %mul3A_63 = arith.muli %add3A, %mul3A_62 : i32
    %add3A_64 = arith.constant 0 : i32
    %add3A_65 = arith.addi %mul3A_63, %add3A_64 : i32
    %dma_wait3A = arith.constant 0 : i32
    %dma_wait3A_66 = tpu.memref_slice %arg8[%rem3A_61, %dma_wait3A] : memref<4x80xi32, #tpu.memory_space<vmem>> -> memref<1x80xi32, #tpu.memory_space<vmem>>
    %dma_wait3A_67 = tpu.memref_squeeze %dma_wait3A_66 : memref<1x80xi32, #tpu.memory_space<vmem>> -> memref<80xi32, #tpu.memory_space<vmem>>
    %dma_wait3A_68 = tpu.memref_slice %arg5[%add3A_65] : memref<640000xi32, #tpu.memory_space<hbm>> -> memref<80xi32, #tpu.memory_space<hbm>>
    %dma_wait3A_69 = tpu.memref_slice %arg14[%rem3A_61] : memref<4x!tpu.dma_semaphore, #tpu.memory_space<semaphore_mem>> -> memref<1x!tpu.dma_semaphore, #tpu.memory_space<semaphore_mem>>
    %dma_wait3A_70 = tpu.memref_squeeze %dma_wait3A_69 : memref<1x!tpu.dma_semaphore, #tpu.memory_space<semaphore_mem>> -> memref<!tpu.dma_semaphore, #tpu.memory_space<semaphore_mem>>
    %dma_wait3A_71 = arith.constant 0 : i32
    %dma_wait3A_72 = tpu.memref_slice %arg8[%rem3A_61, %dma_wait3A_71] : memref<4x80xi32, #tpu.memory_space<vmem>> -> memref<1x80xi32, #tpu.memory_space<vmem>>
    %dma_wait3A_73 = tpu.memref_squeeze %dma_wait3A_72 : memref<1x80xi32, #tpu.memory_space<vmem>> -> memref<80xi32, #tpu.memory_space<vmem>>
    %dma_wait3A_74 = tpu.memref_slice %arg5[%add3A_65] : memref<640000xi32, #tpu.memory_space<hbm>> -> memref<80xi32, #tpu.memory_space<hbm>>
    tpu.wait_dma2 semaphore(%dma_wait3A_70 : memref<!tpu.dma_semaphore, #tpu.memory_space<semaphore_mem>>) src(%dma_wait3A_74 : memref<80xi32, #tpu.memory_space<hbm>>) dst(%dma_wait3A_73 : memref<80xi32, #tpu.memory_space<vmem>>)
    %add3A_75 = arith.constant 320000 : i32
    %add3A_76 = arith.addi %add3A_75, %add3A_65 : i32
    %dma_wait3A_77 = arith.constant 0 : i32
    %dma_wait3A_78 = tpu.memref_slice %arg9[%rem3A_61, %dma_wait3A_77] : memref<4x80xi32, #tpu.memory_space<vmem>> -> memref<1x80xi32, #tpu.memory_space<vmem>>
    %dma_wait3A_79 = tpu.memref_squeeze %dma_wait3A_78 : memref<1x80xi32, #tpu.memory_space<vmem>> -> memref<80xi32, #tpu.memory_space<vmem>>
    %dma_wait3A_80 = tpu.memref_slice %arg5[%add3A_76] : memref<640000xi32, #tpu.memory_space<hbm>> -> memref<80xi32, #tpu.memory_space<hbm>>
    %dma_wait3A_81 = tpu.memref_slice %arg15[%rem3A_61] : memref<4x!tpu.dma_semaphore, #tpu.memory_space<semaphore_mem>> -> memref<1x!tpu.dma_semaphore, #tpu.memory_space<semaphore_mem>>
    %dma_wait3A_82 = tpu.memref_squeeze %dma_wait3A_81 : memref<1x!tpu.dma_semaphore, #tpu.memory_space<semaphore_mem>> -> memref<!tpu.dma_semaphore, #tpu.memory_space<semaphore_mem>>
    %dma_wait3A_83 = arith.constant 0 : i32
    %dma_wait3A_84 = tpu.memref_slice %arg9[%rem3A_61, %dma_wait3A_83] : memref<4x80xi32, #tpu.memory_space<vmem>> -> memref<1x80xi32, #tpu.memory_space<vmem>>
    %dma_wait3A_85 = tpu.memref_squeeze %dma_wait3A_84 : memref<1x80xi32, #tpu.memory_space<vmem>> -> memref<80xi32, #tpu.memory_space<vmem>>
    %dma_wait3A_86 = tpu.memref_slice %arg5[%add3A_76] : memref<640000xi32, #tpu.memory_space<hbm>> -> memref<80xi32, #tpu.memory_space<hbm>>
    tpu.wait_dma2 semaphore(%dma_wait3A_82 : memref<!tpu.dma_semaphore, #tpu.memory_space<semaphore_mem>>) src(%dma_wait3A_86 : memref<80xi32, #tpu.memory_space<hbm>>) dst(%dma_wait3A_85 : memref<80xi32, #tpu.memory_space<vmem>>)
    %rem3A_87 = arith.constant 0 : i32
    %rem3A_88 = arith.constant 4 : i32
    %rem3A_89 = arith.remsi %rem3A_87, %rem3A_88 : i32
    %dma_start3A_90 = arith.constant 0 : i32
    %dma_start3A_91 = arith.constant 0 : i32
    %dma_start3A_92 = arith.constant 0 : i32
    %dma_start3A_93 = arith.constant 0 : i32
    %dma_start3A_94 = tpu.memref_slice %arg11[%dma_start3A_90, %dma_start3A_92, %dma_start3A_93] : memref<2x80x144xf32, #tpu.memory_space<vmem>> -> memref<1x80x144xf32, #tpu.memory_space<vmem>>
    %dma_start3A_95 = tpu.memref_squeeze %dma_start3A_94 : memref<1x80x144xf32, #tpu.memory_space<vmem>> -> memref<80x144xf32, #tpu.memory_space<vmem>>
    %dma_start3A_96 = arith.constant 0 : i32
    %dma_start3A_97 = tpu.memref_slice %arg9[%rem3A_89, %dma_start3A_96] : memref<4x80xi32, #tpu.memory_space<vmem>> -> memref<1x80xi32, #tpu.memory_space<vmem>>
    %dma_start3A_98 = tpu.memref_squeeze %dma_start3A_97 : memref<1x80xi32, #tpu.memory_space<vmem>> -> memref<80xi32, #tpu.memory_space<vmem>>
    %dma_start3A_99 = arith.constant 0 : i32
    %dma_start3A_100 = arith.constant 0 : i32
    %dma_start3A_101 = tpu.memref_slice %arg2[%dma_start3A_99, %dma_start3A_100] : memref<10240x144xf32, #tpu.memory_space<hbm>> -> memref<10240x144xf32, #tpu.memory_space<hbm>>
    %dma_start3A_102 = tpu.memref_slice %arg16[%dma_start3A_91] : memref<2x!tpu.dma_semaphore, #tpu.memory_space<semaphore_mem>> -> memref<1x!tpu.dma_semaphore, #tpu.memory_space<semaphore_mem>>
    %dma_start3A_103 = tpu.memref_squeeze %dma_start3A_102 : memref<1x!tpu.dma_semaphore, #tpu.memory_space<semaphore_mem>> -> memref<!tpu.dma_semaphore, #tpu.memory_space<semaphore_mem>>
    tpu.enqueue_indirect_dma source(%dma_start3A_101 : memref<10240x144xf32, #tpu.memory_space<hbm>>) target(%dma_start3A_95 : memref<80x144xf32, #tpu.memory_space<vmem>>) offsets(%dma_start3A_98 : memref<80xi32, #tpu.memory_space<vmem>>) semaphore(%dma_start3A_103 : memref<!tpu.dma_semaphore, #tpu.memory_space<semaphore_mem>>)
    %scan3A = arith.constant 0 : i32
    %scan3A_104 = arith.constant 125 : i32
    %scan3A_105 = arith.addi %scan3A, %scan3A_104 : i32
    %scan3A_106 = arith.constant 1 : i32
    scf.for %scan3A_127 = %scan3A to %scan3A_105 step %scan3A_106  : i32 {
      %rem3A_128 = arith.constant 2 : i32
      %rem3A_129 = arith.remsi %scan3A_127, %rem3A_128 : i32
      %sub3A = arith.constant 1 : i32
      %sub3A_130 = arith.subi %sub3A, %rem3A_129 : i32
      %add3A_131 = arith.constant 2 : i32
      %add3A_132 = arith.addi %scan3A_127, %add3A_131 : i32
      %lt3A = arith.constant 125 : i32
      %lt3A_133 = arith.cmpi slt, %add3A_132, %lt3A : i32
      %convert_element_type3A = arith.extui %lt3A_133 : i1 to i32
      %cond3A = arith.constant 0 : i32
      %cond3A_134 = arith.cmpi ne, %convert_element_type3A, %cond3A : i32
      scf.if %cond3A_134 {
        %add3A_281 = arith.constant 2 : i32
        %add3A_282 = arith.addi %scan3A_127, %add3A_281 : i32
        %rem3A_283 = arith.constant 4 : i32
        %rem3A_284 = arith.remsi %add3A_282, %rem3A_283 : i32
        %mul3A_285 = arith.constant 10000 : i32
        %mul3A_286 = arith.muli %add3A, %mul3A_285 : i32
        %mul3A_287 = arith.constant 80 : i32
        %mul3A_288 = arith.muli %add3A_282, %mul3A_287 : i32
        %add3A_289 = arith.addi %mul3A_286, %mul3A_288 : i32
        %dma_start3A_290 = arith.constant 0 : i32
        %dma_start3A_291 = tpu.memref_slice %arg8[%rem3A_284, %dma_start3A_290] : memref<4x80xi32, #tpu.memory_space<vmem>> -> memref<1x80xi32, #tpu.memory_space<vmem>>
        %dma_start3A_292 = tpu.memref_squeeze %dma_start3A_291 : memref<1x80xi32, #tpu.memory_space<vmem>> -> memref<80xi32, #tpu.memory_space<vmem>>
        %dma_start3A_293 = tpu.memref_slice %arg5[%add3A_289] : memref<640000xi32, #tpu.memory_space<hbm>> -> memref<80xi32, #tpu.memory_space<hbm>>
        %dma_start3A_294 = tpu.memref_slice %arg14[%rem3A_284] : memref<4x!tpu.dma_semaphore, #tpu.memory_space<semaphore_mem>> -> memref<1x!tpu.dma_semaphore, #tpu.memory_space<semaphore_mem>>
        %dma_start3A_295 = tpu.memref_squeeze %dma_start3A_294 : memref<1x!tpu.dma_semaphore, #tpu.memory_space<semaphore_mem>> -> memref<!tpu.dma_semaphore, #tpu.memory_space<semaphore_mem>>
        %dma_start3A_296 = arith.constant 0 : i32
        %dma_start3A_297 = tpu.memref_slice %arg8[%rem3A_284, %dma_start3A_296] : memref<4x80xi32, #tpu.memory_space<vmem>> -> memref<1x80xi32, #tpu.memory_space<vmem>>
        %dma_start3A_298 = tpu.memref_squeeze %dma_start3A_297 : memref<1x80xi32, #tpu.memory_space<vmem>> -> memref<80xi32, #tpu.memory_space<vmem>>
        %dma_start3A_299 = tpu.memref_slice %arg5[%add3A_289] : memref<640000xi32, #tpu.memory_space<hbm>> -> memref<80xi32, #tpu.memory_space<hbm>>
        tpu.enqueue_dma source(%dma_start3A_299 : memref<80xi32, #tpu.memory_space<hbm>>) target(%dma_start3A_298 : memref<80xi32, #tpu.memory_space<vmem>>) target_semaphore(%dma_start3A_295 : memref<!tpu.dma_semaphore, #tpu.memory_space<semaphore_mem>>)
        %add3A_300 = arith.constant 320000 : i32
        %add3A_301 = arith.addi %add3A_300, %add3A_289 : i32
        %dma_start3A_302 = arith.constant 0 : i32
        %dma_start3A_303 = tpu.memref_slice %arg9[%rem3A_284, %dma_start3A_302] : memref<4x80xi32, #tpu.memory_space<vmem>> -> memref<1x80xi32, #tpu.memory_space<vmem>>
        %dma_start3A_304 = tpu.memref_squeeze %dma_start3A_303 : memref<1x80xi32, #tpu.memory_space<vmem>> -> memref<80xi32, #tpu.memory_space<vmem>>
        %dma_start3A_305 = tpu.memref_slice %arg5[%add3A_301] : memref<640000xi32, #tpu.memory_space<hbm>> -> memref<80xi32, #tpu.memory_space<hbm>>
        %dma_start3A_306 = tpu.memref_slice %arg15[%rem3A_284] : memref<4x!tpu.dma_semaphore, #tpu.memory_space<semaphore_mem>> -> memref<1x!tpu.dma_semaphore, #tpu.memory_space<semaphore_mem>>
        %dma_start3A_307 = tpu.memref_squeeze %dma_start3A_306 : memref<1x!tpu.dma_semaphore, #tpu.memory_space<semaphore_mem>> -> memref<!tpu.dma_semaphore, #tpu.memory_space<semaphore_mem>>
        %dma_start3A_308 = arith.constant 0 : i32
        %dma_start3A_309 = tpu.memref_slice %arg9[%rem3A_284, %dma_start3A_308] : memref<4x80xi32, #tpu.memory_space<vmem>> -> memref<1x80xi32, #tpu.memory_space<vmem>>
        %dma_start3A_310 = tpu.memref_squeeze %dma_start3A_309 : memref<1x80xi32, #tpu.memory_space<vmem>> -> memref<80xi32, #tpu.memory_space<vmem>>
        %dma_start3A_311 = tpu.memref_slice %arg5[%add3A_301] : memref<640000xi32, #tpu.memory_space<hbm>> -> memref<80xi32, #tpu.memory_space<hbm>>
        tpu.enqueue_dma source(%dma_start3A_311 : memref<80xi32, #tpu.memory_space<hbm>>) target(%dma_start3A_310 : memref<80xi32, #tpu.memory_space<vmem>>) target_semaphore(%dma_start3A_307 : memref<!tpu.dma_semaphore, #tpu.memory_space<semaphore_mem>>)
      } else {
      }
      %add3A_135 = arith.constant 1 : i32
      %add3A_136 = arith.addi %scan3A_127, %add3A_135 : i32
      %lt3A_137 = arith.constant 125 : i32
      %lt3A_138 = arith.cmpi slt, %add3A_136, %lt3A_137 : i32
      %convert_element_type3A_139 = arith.extui %lt3A_138 : i1 to i32
      %cond3A_140 = arith.constant 0 : i32
      %cond3A_141 = arith.cmpi ne, %convert_element_type3A_139, %cond3A_140 : i32
      scf.if %cond3A_141 {
        %add3A_281 = arith.constant 1 : i32
        %add3A_282 = arith.addi %scan3A_127, %add3A_281 : i32
        %rem3A_283 = arith.constant 4 : i32
        %rem3A_284 = arith.remsi %add3A_282, %rem3A_283 : i32
        %mul3A_285 = arith.constant 10000 : i32
        %mul3A_286 = arith.muli %add3A, %mul3A_285 : i32
        %mul3A_287 = arith.constant 80 : i32
        %mul3A_288 = arith.muli %add3A_282, %mul3A_287 : i32
        %add3A_289 = arith.addi %mul3A_286, %mul3A_288 : i32
        %dma_wait3A_290 = arith.constant 0 : i32
        %dma_wait3A_291 = tpu.memref_slice %arg8[%rem3A_284, %dma_wait3A_290] : memref<4x80xi32, #tpu.memory_space<vmem>> -> memref<1x80xi32, #tpu.memory_space<vmem>>
        %dma_wait3A_292 = tpu.memref_squeeze %dma_wait3A_291 : memref<1x80xi32, #tpu.memory_space<vmem>> -> memref<80xi32, #tpu.memory_space<vmem>>
        %dma_wait3A_293 = tpu.memref_slice %arg5[%add3A_289] : memref<640000xi32, #tpu.memory_space<hbm>> -> memref<80xi32, #tpu.memory_space<hbm>>
        %dma_wait3A_294 = tpu.memref_slice %arg14[%rem3A_284] : memref<4x!tpu.dma_semaphore, #tpu.memory_space<semaphore_mem>> -> memref<1x!tpu.dma_semaphore, #tpu.memory_space<semaphore_mem>>
        %dma_wait3A_295 = tpu.memref_squeeze %dma_wait3A_294 : memref<1x!tpu.dma_semaphore, #tpu.memory_space<semaphore_mem>> -> memref<!tpu.dma_semaphore, #tpu.memory_space<semaphore_mem>>
        %dma_wait3A_296 = arith.constant 0 : i32
        %dma_wait3A_297 = tpu.memref_slice %arg8[%rem3A_284, %dma_wait3A_296] : memref<4x80xi32, #tpu.memory_space<vmem>> -> memref<1x80xi32, #tpu.memory_space<vmem>>
        %dma_wait3A_298 = tpu.memref_squeeze %dma_wait3A_297 : memref<1x80xi32, #tpu.memory_space<vmem>> -> memref<80xi32, #tpu.memory_space<vmem>>
        %dma_wait3A_299 = tpu.memref_slice %arg5[%add3A_289] : memref<640000xi32, #tpu.memory_space<hbm>> -> memref<80xi32, #tpu.memory_space<hbm>>
        tpu.wait_dma2 semaphore(%dma_wait3A_295 : memref<!tpu.dma_semaphore, #tpu.memory_space<semaphore_mem>>) src(%dma_wait3A_299 : memref<80xi32, #tpu.memory_space<hbm>>) dst(%dma_wait3A_298 : memref<80xi32, #tpu.memory_space<vmem>>)
        %add3A_300 = arith.constant 320000 : i32
        %add3A_301 = arith.addi %add3A_300, %add3A_289 : i32
        %dma_wait3A_302 = arith.constant 0 : i32
        %dma_wait3A_303 = tpu.memref_slice %arg9[%rem3A_284, %dma_wait3A_302] : memref<4x80xi32, #tpu.memory_space<vmem>> -> memref<1x80xi32, #tpu.memory_space<vmem>>
        %dma_wait3A_304 = tpu.memref_squeeze %dma_wait3A_303 : memref<1x80xi32, #tpu.memory_space<vmem>> -> memref<80xi32, #tpu.memory_space<vmem>>
        %dma_wait3A_305 = tpu.memref_slice %arg5[%add3A_301] : memref<640000xi32, #tpu.memory_space<hbm>> -> memref<80xi32, #tpu.memory_space<hbm>>
        %dma_wait3A_306 = tpu.memref_slice %arg15[%rem3A_284] : memref<4x!tpu.dma_semaphore, #tpu.memory_space<semaphore_mem>> -> memref<1x!tpu.dma_semaphore, #tpu.memory_space<semaphore_mem>>
        %dma_wait3A_307 = tpu.memref_squeeze %dma_wait3A_306 : memref<1x!tpu.dma_semaphore, #tpu.memory_space<semaphore_mem>> -> memref<!tpu.dma_semaphore, #tpu.memory_space<semaphore_mem>>
        %dma_wait3A_308 = arith.constant 0 : i32
        %dma_wait3A_309 = tpu.memref_slice %arg9[%rem3A_284, %dma_wait3A_308] : memref<4x80xi32, #tpu.memory_space<vmem>> -> memref<1x80xi32, #tpu.memory_space<vmem>>
        %dma_wait3A_310 = tpu.memref_squeeze %dma_wait3A_309 : memref<1x80xi32, #tpu.memory_space<vmem>> -> memref<80xi32, #tpu.memory_space<vmem>>
        %dma_wait3A_311 = tpu.memref_slice %arg5[%add3A_301] : memref<640000xi32, #tpu.memory_space<hbm>> -> memref<80xi32, #tpu.memory_space<hbm>>
        tpu.wait_dma2 semaphore(%dma_wait3A_307 : memref<!tpu.dma_semaphore, #tpu.memory_space<semaphore_mem>>) src(%dma_wait3A_311 : memref<80xi32, #tpu.memory_space<hbm>>) dst(%dma_wait3A_310 : memref<80xi32, #tpu.memory_space<vmem>>)
        %ge3A = arith.constant 1 : i32
        %ge3A_312 = arith.cmpi sge, %scan3A_127, %ge3A : i32
        %convert_element_type3A_313 = arith.extui %ge3A_312 : i1 to i32
        %cond3A_314 = arith.constant 0 : i32
        %cond3A_315 = arith.cmpi ne, %convert_element_type3A_313, %cond3A_314 : i32
        scf.if %cond3A_315 {
          %sub3A_332 = arith.constant 1 : i32
          %sub3A_333 = arith.subi %scan3A_127, %sub3A_332 : i32
          %rem3A_334 = arith.constant 4 : i32
          %rem3A_335 = arith.remsi %sub3A_333, %rem3A_334 : i32
          %dma_wait3A_336 = arith.constant 0 : i32
          %dma_wait3A_337 = arith.constant 0 : i32
          %dma_wait3A_338 = tpu.memref_slice %arg11[%sub3A_130, %dma_wait3A_336, %dma_wait3A_337] : memref<2x80x144xf32, #tpu.memory_space<vmem>> -> memref<1x80x144xf32, #tpu.memory_space<vmem>>
          %dma_wait3A_339 = tpu.memref_squeeze %dma_wait3A_338 : memref<1x80x144xf32, #tpu.memory_space<vmem>> -> memref<80x144xf32, #tpu.memory_space<vmem>>
          %dma_wait3A_340 = arith.constant 0 : i32
          %dma_wait3A_341 = tpu.memref_slice %arg8[%rem3A_335, %dma_wait3A_340] : memref<4x80xi32, #tpu.memory_space<vmem>> -> memref<1x80xi32, #tpu.memory_space<vmem>>
          %dma_wait3A_342 = tpu.memref_squeeze %dma_wait3A_341 : memref<1x80xi32, #tpu.memory_space<vmem>> -> memref<80xi32, #tpu.memory_space<vmem>>
          %dma_wait3A_343 = arith.constant 0 : i32
          %dma_wait3A_344 = arith.constant 0 : i32
          %dma_wait3A_345 = tpu.memref_slice %arg13[%dma_wait3A_343, %dma_wait3A_344] : memref<10000x144xf32, #tpu.memory_space<vmem_shared>> -> memref<10000x144xf32, #tpu.memory_space<vmem_shared>>
          %dma_wait3A_346 = tpu.memref_slice %arg17[%sub3A_130] : memref<2x!tpu.dma_semaphore, #tpu.memory_space<semaphore_mem>> -> memref<1x!tpu.dma_semaphore, #tpu.memory_space<semaphore_mem>>
          %dma_wait3A_347 = tpu.memref_squeeze %dma_wait3A_346 : memref<1x!tpu.dma_semaphore, #tpu.memory_space<semaphore_mem>> -> memref<!tpu.dma_semaphore, #tpu.memory_space<semaphore_mem>>
          tpu.wait_indirect_dma semaphore(%dma_wait3A_347 : memref<!tpu.dma_semaphore, #tpu.memory_space<semaphore_mem>>) src(%dma_wait3A_339 : memref<80x144xf32, #tpu.memory_space<vmem>>) dst(%dma_wait3A_345 : memref<10000x144xf32, #tpu.memory_space<vmem_shared>>)
        } else {
        }
        %add3A_316 = arith.constant 1 : i32
        %add3A_317 = arith.addi %scan3A_127, %add3A_316 : i32
        %rem3A_318 = arith.constant 4 : i32
        %rem3A_319 = arith.remsi %add3A_317, %rem3A_318 : i32
        %dma_start3A_320 = arith.constant 0 : i32
        %dma_start3A_321 = arith.constant 0 : i32
        %dma_start3A_322 = tpu.memref_slice %arg11[%sub3A_130, %dma_start3A_320, %dma_start3A_321] : memref<2x80x144xf32, #tpu.memory_space<vmem>> -> memref<1x80x144xf32, #tpu.memory_space<vmem>>
        %dma_start3A_323 = tpu.memref_squeeze %dma_start3A_322 : memref<1x80x144xf32, #tpu.memory_space<vmem>> -> memref<80x144xf32, #tpu.memory_space<vmem>>
        %dma_start3A_324 = arith.constant 0 : i32
        %dma_start3A_325 = tpu.memref_slice %arg9[%rem3A_319, %dma_start3A_324] : memref<4x80xi32, #tpu.memory_space<vmem>> -> memref<1x80xi32, #tpu.memory_space<vmem>>
        %dma_start3A_326 = tpu.memref_squeeze %dma_start3A_325 : memref<1x80xi32, #tpu.memory_space<vmem>> -> memref<80xi32, #tpu.memory_space<vmem>>
        %dma_start3A_327 = arith.constant 0 : i32
        %dma_start3A_328 = arith.constant 0 : i32
        %dma_start3A_329 = tpu.memref_slice %arg2[%dma_start3A_327, %dma_start3A_328] : memref<10240x144xf32, #tpu.memory_space<hbm>> -> memref<10240x144xf32, #tpu.memory_space<hbm>>
        %dma_start3A_330 = tpu.memref_slice %arg16[%sub3A_130] : memref<2x!tpu.dma_semaphore, #tpu.memory_space<semaphore_mem>> -> memref<1x!tpu.dma_semaphore, #tpu.memory_space<semaphore_mem>>
        %dma_start3A_331 = tpu.memref_squeeze %dma_start3A_330 : memref<1x!tpu.dma_semaphore, #tpu.memory_space<semaphore_mem>> -> memref<!tpu.dma_semaphore, #tpu.memory_space<semaphore_mem>>
        tpu.enqueue_indirect_dma source(%dma_start3A_329 : memref<10240x144xf32, #tpu.memory_space<hbm>>) target(%dma_start3A_323 : memref<80x144xf32, #tpu.memory_space<vmem>>) offsets(%dma_start3A_326 : memref<80xi32, #tpu.memory_space<vmem>>) semaphore(%dma_start3A_331 : memref<!tpu.dma_semaphore, #tpu.memory_space<semaphore_mem>>)
      } else {
      }
      %rem3A_142 = arith.constant 4 : i32
      %rem3A_143 = arith.remsi %scan3A_127, %rem3A_142 : i32
      %dma_wait3A_144 = arith.constant 0 : i32
      %dma_wait3A_145 = arith.constant 0 : i32
      %dma_wait3A_146 = tpu.memref_slice %arg11[%rem3A_129, %dma_wait3A_144, %dma_wait3A_145] : memref<2x80x144xf32, #tpu.memory_space<vmem>> -> memref<1x80x144xf32, #tpu.memory_space<vmem>>
      %dma_wait3A_147 = tpu.memref_squeeze %dma_wait3A_146 : memref<1x80x144xf32, #tpu.memory_space<vmem>> -> memref<80x144xf32, #tpu.memory_space<vmem>>
      %dma_wait3A_148 = arith.constant 0 : i32
      %dma_wait3A_149 = tpu.memref_slice %arg9[%rem3A_143, %dma_wait3A_148] : memref<4x80xi32, #tpu.memory_space<vmem>> -> memref<1x80xi32, #tpu.memory_space<vmem>>
      %dma_wait3A_150 = tpu.memref_squeeze %dma_wait3A_149 : memref<1x80xi32, #tpu.memory_space<vmem>> -> memref<80xi32, #tpu.memory_space<vmem>>
      %dma_wait3A_151 = arith.constant 0 : i32
      %dma_wait3A_152 = arith.constant 0 : i32
      %dma_wait3A_153 = tpu.memref_slice %arg2[%dma_wait3A_151, %dma_wait3A_152] : memref<10240x144xf32, #tpu.memory_space<hbm>> -> memref<10240x144xf32, #tpu.memory_space<hbm>>
      %dma_wait3A_154 = tpu.memref_slice %arg16[%rem3A_129] : memref<2x!tpu.dma_semaphore, #tpu.memory_space<semaphore_mem>> -> memref<1x!tpu.dma_semaphore, #tpu.memory_space<semaphore_mem>>
      %dma_wait3A_155 = tpu.memref_squeeze %dma_wait3A_154 : memref<1x!tpu.dma_semaphore, #tpu.memory_space<semaphore_mem>> -> memref<!tpu.dma_semaphore, #tpu.memory_space<semaphore_mem>>
      tpu.wait_indirect_dma semaphore(%dma_wait3A_155 : memref<!tpu.dma_semaphore, #tpu.memory_space<semaphore_mem>>) src(%dma_wait3A_153 : memref<10240x144xf32, #tpu.memory_space<hbm>>) dst(%dma_wait3A_147 : memref<80x144xf32, #tpu.memory_space<vmem>>)
      %rem3A_156 = arith.constant 4 : i32
      %rem3A_157 = arith.remsi %scan3A_127, %rem3A_156 : i32
      %iota3A = tpu.iota {dimensions = array<i32: 0>} : vector<16xi32>
      %get3A = arith.index_cast %rem3A_157 : i32 to index
      %get3A_158 = arith.constant 0 : index
      %get3A_159 = tpu.vector_load %arg8[%get3A, %get3A_158] {strides = array<i32>} : memref<4x80xi32, #tpu.memory_space<vmem>>, vector<16xi32>,
      %add3A_160 = arith.constant 0 : i32
      %add3A_161 = vector.broadcast %add3A_160 : i32 to vector<16xi32>
      %add3A_162 = arith.addi %iota3A, %add3A_161 : vector<16xi32>
      %broadcast_in_dim3A = arith.constant 129 : i32
      %broadcast_in_dim3A_163 = vector.broadcast %broadcast_in_dim3A : i32 to vector<16xi32>
      %gather3A = arith.constant 0 : i32
      %gather3A_164 = arith.constant 0 : i32
      %gather3A_165 = tpu.memref_slice %arg11[%rem3A_129, %gather3A, %gather3A_164] : memref<2x80x144xf32, #tpu.memory_space<vmem>> -> memref<1x80x144xf32, #tpu.memory_space<vmem>>
      %gather3A_166 = tpu.memref_squeeze %gather3A_165 : memref<1x80x144xf32, #tpu.memory_space<vmem>> -> memref<80x144xf32, #tpu.memory_space<vmem>>
      %gather3A_167 = tpu.vector_load_idx %gather3A_166[%add3A_162, %broadcast_in_dim3A_163] : memref<80x144xf32, #tpu.memory_space<vmem>>[vector<16xi32>, vector<16xi32>], vector<16xf32>,
      %gather3A_168 = tpu.vector_load_idx %arg10[%get3A_159] : memref<10240xf32, #tpu.memory_space<vmem>>[vector<16xi32>], vector<16xf32>,
      %add3A_169 = arith.addf %gather3A_168, %gather3A_167 : vector<16xf32>
      %mul3A_170 = arith.constant 1.000000e-01 : f32
      %mul3A_171 = vector.broadcast %mul3A_170 : f32 to vector<16xf32>
      %mul3A_172 = arith.mulf %add3A_169, %mul3A_171 : vector<16xf32>
      %max3A = arith.maximumf %add3A_169, %mul3A_172 : vector<16xf32>
      %exp3A = math.exp %max3A : vector<16xf32>
      %swap3A = arith.constant 0 : index
      %swap3A_173 = tpu.vector_load %arg12[%swap3A] {strides = array<i32>} : memref<80xf32, #tpu.memory_space<vmem>>, vector<16xf32>,
      tpu.vector_store %arg12[%swap3A], %exp3A {strides = array<i32>} : memref<80xf32, #tpu.memory_space<vmem>>, vector<16xf32>,
      %get3A_174 = arith.index_cast %rem3A_157 : i32 to index
      %get3A_175 = arith.constant 16 : index
      %get3A_176 = tpu.vector_load %arg8[%get3A_174, %get3A_175] {strides = array<i32>} : memref<4x80xi32, #tpu.memory_space<vmem>>, vector<16xi32>,
      %add3A_177 = arith.constant 16 : i32
      %add3A_178 = vector.broadcast %add3A_177 : i32 to vector<16xi32>
      %add3A_179 = arith.addi %iota3A, %add3A_178 : vector<16xi32>
      %broadcast_in_dim3A_180 = arith.constant 129 : i32
      %broadcast_in_dim3A_181 = vector.broadcast %broadcast_in_dim3A_180 : i32 to vector<16xi32>
      %gather3A_182 = arith.constant 0 : i32
      %gather3A_183 = arith.constant 0 : i32
      %gather3A_184 = tpu.memref_slice %arg11[%rem3A_129, %gather3A_182, %gather3A_183] : memref<2x80x144xf32, #tpu.memory_space<vmem>> -> memref<1x80x144xf32, #tpu.memory_space<vmem>>
      %gather3A_185 = tpu.memref_squeeze %gather3A_184 : memref<1x80x144xf32, #tpu.memory_space<vmem>> -> memref<80x144xf32, #tpu.memory_space<vmem>>
      %gather3A_186 = tpu.vector_load_idx %gather3A_185[%add3A_179, %broadcast_in_dim3A_181] : memref<80x144xf32, #tpu.memory_space<vmem>>[vector<16xi32>, vector<16xi32>], vector<16xf32>,
      %gather3A_187 = tpu.vector_load_idx %arg10[%get3A_176] : memref<10240xf32, #tpu.memory_space<vmem>>[vector<16xi32>], vector<16xf32>,
      %add3A_188 = arith.addf %gather3A_187, %gather3A_186 : vector<16xf32>
      %mul3A_189 = arith.constant 1.000000e-01 : f32
      %mul3A_190 = vector.broadcast %mul3A_189 : f32 to vector<16xf32>
      %mul3A_191 = arith.mulf %add3A_188, %mul3A_190 : vector<16xf32>
      %max3A_192 = arith.maximumf %add3A_188, %mul3A_191 : vector<16xf32>
      %exp3A_193 = math.exp %max3A_192 : vector<16xf32>
      %swap3A_194 = arith.constant 16 : index
      %swap3A_195 = tpu.vector_load %arg12[%swap3A_194] {strides = array<i32>} : memref<80xf32, #tpu.memory_space<vmem>>, vector<16xf32>,
      tpu.vector_store %arg12[%swap3A_194], %exp3A_193 {strides = array<i32>} : memref<80xf32, #tpu.memory_space<vmem>>, vector<16xf32>,
      %get3A_196 = arith.index_cast %rem3A_157 : i32 to index
      %get3A_197 = arith.constant 32 : index
      %get3A_198 = tpu.vector_load %arg8[%get3A_196, %get3A_197] {strides = array<i32>} : memref<4x80xi32, #tpu.memory_space<vmem>>, vector<16xi32>,
      %add3A_199 = arith.constant 32 : i32
      %add3A_200 = vector.broadcast %add3A_199 : i32 to vector<16xi32>
      %add3A_201 = arith.addi %iota3A, %add3A_200 : vector<16xi32>
      %broadcast_in_dim3A_202 = arith.constant 129 : i32
      %broadcast_in_dim3A_203 = vector.broadcast %broadcast_in_dim3A_202 : i32 to vector<16xi32>
      %gather3A_204 = arith.constant 0 : i32
      %gather3A_205 = arith.constant 0 : i32
      %gather3A_206 = tpu.memref_slice %arg11[%rem3A_129, %gather3A_204, %gather3A_205] : memref<2x80x144xf32, #tpu.memory_space<vmem>> -> memref<1x80x144xf32, #tpu.memory_space<vmem>>
      %gather3A_207 = tpu.memref_squeeze %gather3A_206 : memref<1x80x144xf32, #tpu.memory_space<vmem>> -> memref<80x144xf32, #tpu.memory_space<vmem>>
      %gather3A_208 = tpu.vector_load_idx %gather3A_207[%add3A_201, %broadcast_in_dim3A_203] : memref<80x144xf32, #tpu.memory_space<vmem>>[vector<16xi32>, vector<16xi32>], vector<16xf32>,
      %gather3A_209 = tpu.vector_load_idx %arg10[%get3A_198] : memref<10240xf32, #tpu.memory_space<vmem>>[vector<16xi32>], vector<16xf32>,
      %add3A_210 = arith.addf %gather3A_209, %gather3A_208 : vector<16xf32>
      %mul3A_211 = arith.constant 1.000000e-01 : f32
      %mul3A_212 = vector.broadcast %mul3A_211 : f32 to vector<16xf32>
      %mul3A_213 = arith.mulf %add3A_210, %mul3A_212 : vector<16xf32>
      %max3A_214 = arith.maximumf %add3A_210, %mul3A_213 : vector<16xf32>
      %exp3A_215 = math.exp %max3A_214 : vector<16xf32>
      %swap3A_216 = arith.constant 32 : index
      %swap3A_217 = tpu.vector_load %arg12[%swap3A_216] {strides = array<i32>} : memref<80xf32, #tpu.memory_space<vmem>>, vector<16xf32>,
      tpu.vector_store %arg12[%swap3A_216], %exp3A_215 {strides = array<i32>} : memref<80xf32, #tpu.memory_space<vmem>>, vector<16xf32>,
      %get3A_218 = arith.index_cast %rem3A_157 : i32 to index
      %get3A_219 = arith.constant 48 : index
      %get3A_220 = tpu.vector_load %arg8[%get3A_218, %get3A_219] {strides = array<i32>} : memref<4x80xi32, #tpu.memory_space<vmem>>, vector<16xi32>,
      %add3A_221 = arith.constant 48 : i32
      %add3A_222 = vector.broadcast %add3A_221 : i32 to vector<16xi32>
      %add3A_223 = arith.addi %iota3A, %add3A_222 : vector<16xi32>
      %broadcast_in_dim3A_224 = arith.constant 129 : i32
      %broadcast_in_dim3A_225 = vector.broadcast %broadcast_in_dim3A_224 : i32 to vector<16xi32>
      %gather3A_226 = arith.constant 0 : i32
      %gather3A_227 = arith.constant 0 : i32
      %gather3A_228 = tpu.memref_slice %arg11[%rem3A_129, %gather3A_226, %gather3A_227] : memref<2x80x144xf32, #tpu.memory_space<vmem>> -> memref<1x80x144xf32, #tpu.memory_space<vmem>>
      %gather3A_229 = tpu.memref_squeeze %gather3A_228 : memref<1x80x144xf32, #tpu.memory_space<vmem>> -> memref<80x144xf32, #tpu.memory_space<vmem>>
      %gather3A_230 = tpu.vector_load_idx %gather3A_229[%add3A_223, %broadcast_in_dim3A_225] : memref<80x144xf32, #tpu.memory_space<vmem>>[vector<16xi32>, vector<16xi32>], vector<16xf32>,
      %gather3A_231 = tpu.vector_load_idx %arg10[%get3A_220] : memref<10240xf32, #tpu.memory_space<vmem>>[vector<16xi32>], vector<16xf32>,
      %add3A_232 = arith.addf %gather3A_231, %gather3A_230 : vector<16xf32>
      %mul3A_233 = arith.constant 1.000000e-01 : f32
      %mul3A_234 = vector.broadcast %mul3A_233 : f32 to vector<16xf32>
      %mul3A_235 = arith.mulf %add3A_232, %mul3A_234 : vector<16xf32>
      %max3A_236 = arith.maximumf %add3A_232, %mul3A_235 : vector<16xf32>
      %exp3A_237 = math.exp %max3A_236 : vector<16xf32>
      %swap3A_238 = arith.constant 48 : index
      %swap3A_239 = tpu.vector_load %arg12[%swap3A_238] {strides = array<i32>} : memref<80xf32, #tpu.memory_space<vmem>>, vector<16xf32>,
      tpu.vector_store %arg12[%swap3A_238], %exp3A_237 {strides = array<i32>} : memref<80xf32, #tpu.memory_space<vmem>>, vector<16xf32>,
      %get3A_240 = arith.index_cast %rem3A_157 : i32 to index
      %get3A_241 = arith.constant 64 : index
      %get3A_242 = tpu.vector_load %arg8[%get3A_240, %get3A_241] {strides = array<i32>} : memref<4x80xi32, #tpu.memory_space<vmem>>, vector<16xi32>,
      %add3A_243 = arith.constant 64 : i32
      %add3A_244 = vector.broadcast %add3A_243 : i32 to vector<16xi32>
      %add3A_245 = arith.addi %iota3A, %add3A_244 : vector<16xi32>
      %broadcast_in_dim3A_246 = arith.constant 129 : i32
      %broadcast_in_dim3A_247 = vector.broadcast %broadcast_in_dim3A_246 : i32 to vector<16xi32>
      %gather3A_248 = arith.constant 0 : i32
      %gather3A_249 = arith.constant 0 : i32
      %gather3A_250 = tpu.memref_slice %arg11[%rem3A_129, %gather3A_248, %gather3A_249] : memref<2x80x144xf32, #tpu.memory_space<vmem>> -> memref<1x80x144xf32, #tpu.memory_space<vmem>>
      %gather3A_251 = tpu.memref_squeeze %gather3A_250 : memref<1x80x144xf32, #tpu.memory_space<vmem>> -> memref<80x144xf32, #tpu.memory_space<vmem>>
      %gather3A_252 = tpu.vector_load_idx %gather3A_251[%add3A_245, %broadcast_in_dim3A_247] : memref<80x144xf32, #tpu.memory_space<vmem>>[vector<16xi32>, vector<16xi32>], vector<16xf32>,
      %gather3A_253 = tpu.vector_load_idx %arg10[%get3A_242] : memref<10240xf32, #tpu.memory_space<vmem>>[vector<16xi32>], vector<16xf32>,
      %add3A_254 = arith.addf %gather3A_253, %gather3A_252 : vector<16xf32>
      %mul3A_255 = arith.constant 1.000000e-01 : f32
      %mul3A_256 = vector.broadcast %mul3A_255 : f32 to vector<16xf32>
      %mul3A_257 = arith.mulf %add3A_254, %mul3A_256 : vector<16xf32>
      %max3A_258 = arith.maximumf %add3A_254, %mul3A_257 : vector<16xf32>
      %exp3A_259 = math.exp %max3A_258 : vector<16xf32>
      %swap3A_260 = arith.constant 64 : index
      %swap3A_261 = tpu.vector_load %arg12[%swap3A_260] {strides = array<i32>} : memref<80xf32, #tpu.memory_space<vmem>>, vector<16xf32>,
      tpu.vector_store %arg12[%swap3A_260], %exp3A_259 {strides = array<i32>} : memref<80xf32, #tpu.memory_space<vmem>>, vector<16xf32>,
      %scan3A_262 = arith.constant 0 : i32
      %scan3A_263 = arith.constant 20 : i32
      %scan3A_264 = arith.addi %scan3A_262, %scan3A_263 : i32
      %scan3A_265 = arith.constant 1 : i32
      scf.for %scan3A_281 = %scan3A_262 to %scan3A_264 step %scan3A_265  : i32 {
        %mul3A_282 = arith.constant 4 : i32
        %mul3A_283 = arith.muli %scan3A_281, %mul3A_282 : i32
        %add3A_284 = arith.constant 0 : i32
        %add3A_285 = arith.addi %mul3A_283, %add3A_284 : i32
        %broadcast_in_dim3A_286 = vector.broadcast %add3A_285 : i32 to vector<16xi32>
        %gather3A_287 = tpu.vector_load_idx %arg12[%broadcast_in_dim3A_286] : memref<80xf32, #tpu.memory_space<vmem>>[vector<16xi32>], vector<16xf32>,
        %get3A_288 = arith.index_cast %rem3A_129 : i32 to index
        %get3A_289 = arith.index_cast %add3A_285 : i32 to index
        %get3A_290 = arith.constant 0 : index
        %get3A_291 = tpu.vector_load %arg11[%get3A_288, %get3A_289, %get3A_290] {strides = array<i32>} : memref<2x80x144xf32, #tpu.memory_space<vmem>>, vector<16xf32>,
        %mul3A_292 = arith.mulf %get3A_291, %gather3A_287 : vector<16xf32>
        %swap3A_293 = arith.index_cast %rem3A_129 : i32 to index
        %swap3A_294 = arith.index_cast %add3A_285 : i32 to index
        %swap3A_295 = arith.constant 0 : index
        %swap3A_296 = tpu.vector_load %arg11[%swap3A_293, %swap3A_294, %swap3A_295] {strides = array<i32>} : memref<2x80x144xf32, #tpu.memory_space<vmem>>, vector<16xf32>,
        tpu.vector_store %arg11[%swap3A_293, %swap3A_294, %swap3A_295], %mul3A_292 {strides = array<i32>} : memref<2x80x144xf32, #tpu.memory_space<vmem>>, vector<16xf32>,
        %get3A_297 = arith.index_cast %rem3A_129 : i32 to index
        %get3A_298 = arith.index_cast %add3A_285 : i32 to index
        %get3A_299 = arith.constant 16 : index
        %get3A_300 = tpu.vector_load %arg11[%get3A_297, %get3A_298, %get3A_299] {strides = array<i32>} : memref<2x80x144xf32, #tpu.memory_space<vmem>>, vector<16xf32>,
        %mul3A_301 = arith.mulf %get3A_300, %gather3A_287 : vector<16xf32>
        %swap3A_302 = arith.index_cast %rem3A_129 : i32 to index
        %swap3A_303 = arith.index_cast %add3A_285 : i32 to index
        %swap3A_304 = arith.constant 16 : index
        %swap3A_305 = tpu.vector_load %arg11[%swap3A_302, %swap3A_303, %swap3A_304] {strides = array<i32>} : memref<2x80x144xf32, #tpu.memory_space<vmem>>, vector<16xf32>,
        tpu.vector_store %arg11[%swap3A_302, %swap3A_303, %swap3A_304], %mul3A_301 {strides = array<i32>} : memref<2x80x144xf32, #tpu.memory_space<vmem>>, vector<16xf32>,
        %get3A_306 = arith.index_cast %rem3A_129 : i32 to index
        %get3A_307 = arith.index_cast %add3A_285 : i32 to index
        %get3A_308 = arith.constant 32 : index
        %get3A_309 = tpu.vector_load %arg11[%get3A_306, %get3A_307, %get3A_308] {strides = array<i32>} : memref<2x80x144xf32, #tpu.memory_space<vmem>>, vector<16xf32>,
        %mul3A_310 = arith.mulf %get3A_309, %gather3A_287 : vector<16xf32>
        %swap3A_311 = arith.index_cast %rem3A_129 : i32 to index
        %swap3A_312 = arith.index_cast %add3A_285 : i32 to index
        %swap3A_313 = arith.constant 32 : index
        %swap3A_314 = tpu.vector_load %arg11[%swap3A_311, %swap3A_312, %swap3A_313] {strides = array<i32>} : memref<2x80x144xf32, #tpu.memory_space<vmem>>, vector<16xf32>,
        tpu.vector_store %arg11[%swap3A_311, %swap3A_312, %swap3A_313], %mul3A_310 {strides = array<i32>} : memref<2x80x144xf32, #tpu.memory_space<vmem>>, vector<16xf32>,
        %get3A_315 = arith.index_cast %rem3A_129 : i32 to index
        %get3A_316 = arith.index_cast %add3A_285 : i32 to index
        %get3A_317 = arith.constant 48 : index
        %get3A_318 = tpu.vector_load %arg11[%get3A_315, %get3A_316, %get3A_317] {strides = array<i32>} : memref<2x80x144xf32, #tpu.memory_space<vmem>>, vector<16xf32>,
        %mul3A_319 = arith.mulf %get3A_318, %gather3A_287 : vector<16xf32>
        %swap3A_320 = arith.index_cast %rem3A_129 : i32 to index
        %swap3A_321 = arith.index_cast %add3A_285 : i32 to index
        %swap3A_322 = arith.constant 48 : index
        %swap3A_323 = tpu.vector_load %arg11[%swap3A_320, %swap3A_321, %swap3A_322] {strides = array<i32>} : memref<2x80x144xf32, #tpu.memory_space<vmem>>, vector<16xf32>,
        tpu.vector_store %arg11[%swap3A_320, %swap3A_321, %swap3A_322], %mul3A_319 {strides = array<i32>} : memref<2x80x144xf32, #tpu.memory_space<vmem>>, vector<16xf32>,
        %get3A_324 = arith.index_cast %rem3A_129 : i32 to index
        %get3A_325 = arith.index_cast %add3A_285 : i32 to index
        %get3A_326 = arith.constant 64 : index
        %get3A_327 = tpu.vector_load %arg11[%get3A_324, %get3A_325, %get3A_326] {strides = array<i32>} : memref<2x80x144xf32, #tpu.memory_space<vmem>>, vector<16xf32>,
        %mul3A_328 = arith.mulf %get3A_327, %gather3A_287 : vector<16xf32>
        %swap3A_329 = arith.index_cast %rem3A_129 : i32 to index
        %swap3A_330 = arith.index_cast %add3A_285 : i32 to index
        %swap3A_331 = arith.constant 64 : index
        %swap3A_332 = tpu.vector_load %arg11[%swap3A_329, %swap3A_330, %swap3A_331] {strides = array<i32>} : memref<2x80x144xf32, #tpu.memory_space<vmem>>, vector<16xf32>,
        tpu.vector_store %arg11[%swap3A_329, %swap3A_330, %swap3A_331], %mul3A_328 {strides = array<i32>} : memref<2x80x144xf32, #tpu.memory_space<vmem>>, vector<16xf32>,
        %get3A_333 = arith.index_cast %rem3A_129 : i32 to index
        %get3A_334 = arith.index_cast %add3A_285 : i32 to index
        %get3A_335 = arith.constant 80 : index
        %get3A_336 = tpu.vector_load %arg11[%get3A_333, %get3A_334, %get3A_335] {strides = array<i32>} : memref<2x80x144xf32, #tpu.memory_space<vmem>>, vector<16xf32>,
        %mul3A_337 = arith.mulf %get3A_336, %gather3A_287 : vector<16xf32>
        %swap3A_338 = arith.index_cast %rem3A_129 : i32 to index
        %swap3A_339 = arith.index_cast %add3A_285 : i32 to index
        %swap3A_340 = arith.constant 80 : index
        %swap3A_341 = tpu.vector_load %arg11[%swap3A_338, %swap3A_339, %swap3A_340] {strides = array<i32>} : memref<2x80x144xf32, #tpu.memory_space<vmem>>, vector<16xf32>,
        tpu.vector_store %arg11[%swap3A_338, %swap3A_339, %swap3A_340], %mul3A_337 {strides = array<i32>} : memref<2x80x144xf32, #tpu.memory_space<vmem>>, vector<16xf32>,
        %get3A_342 = arith.index_cast %rem3A_129 : i32 to index
        %get3A_343 = arith.index_cast %add3A_285 : i32 to index
        %get3A_344 = arith.constant 96 : index
        %get3A_345 = tpu.vector_load %arg11[%get3A_342, %get3A_343, %get3A_344] {strides = array<i32>} : memref<2x80x144xf32, #tpu.memory_space<vmem>>, vector<16xf32>,
        %mul3A_346 = arith.mulf %get3A_345, %gather3A_287 : vector<16xf32>
        %swap3A_347 = arith.index_cast %rem3A_129 : i32 to index
        %swap3A_348 = arith.index_cast %add3A_285 : i32 to index
        %swap3A_349 = arith.constant 96 : index
        %swap3A_350 = tpu.vector_load %arg11[%swap3A_347, %swap3A_348, %swap3A_349] {strides = array<i32>} : memref<2x80x144xf32, #tpu.memory_space<vmem>>, vector<16xf32>,
        tpu.vector_store %arg11[%swap3A_347, %swap3A_348, %swap3A_349], %mul3A_346 {strides = array<i32>} : memref<2x80x144xf32, #tpu.memory_space<vmem>>, vector<16xf32>,
        %get3A_351 = arith.index_cast %rem3A_129 : i32 to index
        %get3A_352 = arith.index_cast %add3A_285 : i32 to index
        %get3A_353 = arith.constant 112 : index
        %get3A_354 = tpu.vector_load %arg11[%get3A_351, %get3A_352, %get3A_353] {strides = array<i32>} : memref<2x80x144xf32, #tpu.memory_space<vmem>>, vector<16xf32>,
        %mul3A_355 = arith.mulf %get3A_354, %gather3A_287 : vector<16xf32>
        %swap3A_356 = arith.index_cast %rem3A_129 : i32 to index
        %swap3A_357 = arith.index_cast %add3A_285 : i32 to index
        %swap3A_358 = arith.constant 112 : index
        %swap3A_359 = tpu.vector_load %arg11[%swap3A_356, %swap3A_357, %swap3A_358] {strides = array<i32>} : memref<2x80x144xf32, #tpu.memory_space<vmem>>, vector<16xf32>,
        tpu.vector_store %arg11[%swap3A_356, %swap3A_357, %swap3A_358], %mul3A_355 {strides = array<i32>} : memref<2x80x144xf32, #tpu.memory_space<vmem>>, vector<16xf32>,
        %get3A_360 = arith.index_cast %rem3A_129 : i32 to index
        %get3A_361 = arith.index_cast %add3A_285 : i32 to index
        %get3A_362 = arith.constant 128 : index
        %get3A_363 = tpu.vector_load %arg11[%get3A_360, %get3A_361, %get3A_362] {strides = array<i32>} : memref<2x80x144xf32, #tpu.memory_space<vmem>>, vector<16xf32>,
        %mul3A_364 = arith.mulf %get3A_363, %gather3A_287 : vector<16xf32>
        %swap3A_365 = arith.index_cast %rem3A_129 : i32 to index
        %swap3A_366 = arith.index_cast %add3A_285 : i32 to index
        %swap3A_367 = arith.constant 128 : index
        %swap3A_368 = tpu.vector_load %arg11[%swap3A_365, %swap3A_366, %swap3A_367] {strides = array<i32>} : memref<2x80x144xf32, #tpu.memory_space<vmem>>, vector<16xf32>,
        tpu.vector_store %arg11[%swap3A_365, %swap3A_366, %swap3A_367], %mul3A_364 {strides = array<i32>} : memref<2x80x144xf32, #tpu.memory_space<vmem>>, vector<16xf32>,
        %mul3A_369 = arith.constant 4 : i32
        %mul3A_370 = arith.muli %scan3A_281, %mul3A_369 : i32
        %add3A_371 = arith.constant 1 : i32
        %add3A_372 = arith.addi %mul3A_370, %add3A_371 : i32
        %broadcast_in_dim3A_373 = vector.broadcast %add3A_372 : i32 to vector<16xi32>
        %gather3A_374 = tpu.vector_load_idx %arg12[%broadcast_in_dim3A_373] : memref<80xf32, #tpu.memory_space<vmem>>[vector<16xi32>], vector<16xf32>,
        %get3A_375 = arith.index_cast %rem3A_129 : i32 to index
        %get3A_376 = arith.index_cast %add3A_372 : i32 to index
        %get3A_377 = arith.constant 0 : index
        %get3A_378 = tpu.vector_load %arg11[%get3A_375, %get3A_376, %get3A_377] {strides = array<i32>} : memref<2x80x144xf32, #tpu.memory_space<vmem>>, vector<16xf32>,
        %mul3A_379 = arith.mulf %get3A_378, %gather3A_374 : vector<16xf32>
        %swap3A_380 = arith.index_cast %rem3A_129 : i32 to index
        %swap3A_381 = arith.index_cast %add3A_372 : i32 to index
        %swap3A_382 = arith.constant 0 : index
        %swap3A_383 = tpu.vector_load %arg11[%swap3A_380, %swap3A_381, %swap3A_382] {strides = array<i32>} : memref<2x80x144xf32, #tpu.memory_space<vmem>>, vector<16xf32>,
        tpu.vector_store %arg11[%swap3A_380, %swap3A_381, %swap3A_382], %mul3A_379 {strides = array<i32>} : memref<2x80x144xf32, #tpu.memory_space<vmem>>, vector<16xf32>,
        %get3A_384 = arith.index_cast %rem3A_129 : i32 to index
        %get3A_385 = arith.index_cast %add3A_372 : i32 to index
        %get3A_386 = arith.constant 16 : index
        %get3A_387 = tpu.vector_load %arg11[%get3A_384, %get3A_385, %get3A_386] {strides = array<i32>} : memref<2x80x144xf32, #tpu.memory_space<vmem>>, vector<16xf32>,
        %mul3A_388 = arith.mulf %get3A_387, %gather3A_374 : vector<16xf32>
        %swap3A_389 = arith.index_cast %rem3A_129 : i32 to index
        %swap3A_390 = arith.index_cast %add3A_372 : i32 to index
        %swap3A_391 = arith.constant 16 : index
        %swap3A_392 = tpu.vector_load %arg11[%swap3A_389, %swap3A_390, %swap3A_391] {strides = array<i32>} : memref<2x80x144xf32, #tpu.memory_space<vmem>>, vector<16xf32>,
        tpu.vector_store %arg11[%swap3A_389, %swap3A_390, %swap3A_391], %mul3A_388 {strides = array<i32>} : memref<2x80x144xf32, #tpu.memory_space<vmem>>, vector<16xf32>,
        %get3A_393 = arith.index_cast %rem3A_129 : i32 to index
        %get3A_394 = arith.index_cast %add3A_372 : i32 to index
        %get3A_395 = arith.constant 32 : index
        %get3A_396 = tpu.vector_load %arg11[%get3A_393, %get3A_394, %get3A_395] {strides = array<i32>} : memref<2x80x144xf32, #tpu.memory_space<vmem>>, vector<16xf32>,
        %mul3A_397 = arith.mulf %get3A_396, %gather3A_374 : vector<16xf32>
        %swap3A_398 = arith.index_cast %rem3A_129 : i32 to index
        %swap3A_399 = arith.index_cast %add3A_372 : i32 to index
        %swap3A_400 = arith.constant 32 : index
        %swap3A_401 = tpu.vector_load %arg11[%swap3A_398, %swap3A_399, %swap3A_400] {strides = array<i32>} : memref<2x80x144xf32, #tpu.memory_space<vmem>>, vector<16xf32>,
        tpu.vector_store %arg11[%swap3A_398, %swap3A_399, %swap3A_400], %mul3A_397 {strides = array<i32>} : memref<2x80x144xf32, #tpu.memory_space<vmem>>, vector<16xf32>,
        %get3A_402 = arith.index_cast %rem3A_129 : i32 to index
        %get3A_403 = arith.index_cast %add3A_372 : i32 to index
        %get3A_404 = arith.constant 48 : index
        %get3A_405 = tpu.vector_load %arg11[%get3A_402, %get3A_403, %get3A_404] {strides = array<i32>} : memref<2x80x144xf32, #tpu.memory_space<vmem>>, vector<16xf32>,
        %mul3A_406 = arith.mulf %get3A_405, %gather3A_374 : vector<16xf32>
        %swap3A_407 = arith.index_cast %rem3A_129 : i32 to index
        %swap3A_408 = arith.index_cast %add3A_372 : i32 to index
        %swap3A_409 = arith.constant 48 : index
        %swap3A_410 = tpu.vector_load %arg11[%swap3A_407, %swap3A_408, %swap3A_409] {strides = array<i32>} : memref<2x80x144xf32, #tpu.memory_space<vmem>>, vector<16xf32>,
        tpu.vector_store %arg11[%swap3A_407, %swap3A_408, %swap3A_409], %mul3A_406 {strides = array<i32>} : memref<2x80x144xf32, #tpu.memory_space<vmem>>, vector<16xf32>,
        %get3A_411 = arith.index_cast %rem3A_129 : i32 to index
        %get3A_412 = arith.index_cast %add3A_372 : i32 to index
        %get3A_413 = arith.constant 64 : index
        %get3A_414 = tpu.vector_load %arg11[%get3A_411, %get3A_412, %get3A_413] {strides = array<i32>} : memref<2x80x144xf32, #tpu.memory_space<vmem>>, vector<16xf32>,
        %mul3A_415 = arith.mulf %get3A_414, %gather3A_374 : vector<16xf32>
        %swap3A_416 = arith.index_cast %rem3A_129 : i32 to index
        %swap3A_417 = arith.index_cast %add3A_372 : i32 to index
        %swap3A_418 = arith.constant 64 : index
        %swap3A_419 = tpu.vector_load %arg11[%swap3A_416, %swap3A_417, %swap3A_418] {strides = array<i32>} : memref<2x80x144xf32, #tpu.memory_space<vmem>>, vector<16xf32>,
        tpu.vector_store %arg11[%swap3A_416, %swap3A_417, %swap3A_418], %mul3A_415 {strides = array<i32>} : memref<2x80x144xf32, #tpu.memory_space<vmem>>, vector<16xf32>,
        %get3A_420 = arith.index_cast %rem3A_129 : i32 to index
        %get3A_421 = arith.index_cast %add3A_372 : i32 to index
        %get3A_422 = arith.constant 80 : index
        %get3A_423 = tpu.vector_load %arg11[%get3A_420, %get3A_421, %get3A_422] {strides = array<i32>} : memref<2x80x144xf32, #tpu.memory_space<vmem>>, vector<16xf32>,
        %mul3A_424 = arith.mulf %get3A_423, %gather3A_374 : vector<16xf32>
        %swap3A_425 = arith.index_cast %rem3A_129 : i32 to index
        %swap3A_426 = arith.index_cast %add3A_372 : i32 to index
        %swap3A_427 = arith.constant 80 : index
        %swap3A_428 = tpu.vector_load %arg11[%swap3A_425, %swap3A_426, %swap3A_427] {strides = array<i32>} : memref<2x80x144xf32, #tpu.memory_space<vmem>>, vector<16xf32>,
        tpu.vector_store %arg11[%swap3A_425, %swap3A_426, %swap3A_427], %mul3A_424 {strides = array<i32>} : memref<2x80x144xf32, #tpu.memory_space<vmem>>, vector<16xf32>,
        %get3A_429 = arith.index_cast %rem3A_129 : i32 to index
        %get3A_430 = arith.index_cast %add3A_372 : i32 to index
        %get3A_431 = arith.constant 96 : index
        %get3A_432 = tpu.vector_load %arg11[%get3A_429, %get3A_430, %get3A_431] {strides = array<i32>} : memref<2x80x144xf32, #tpu.memory_space<vmem>>, vector<16xf32>,
        %mul3A_433 = arith.mulf %get3A_432, %gather3A_374 : vector<16xf32>
        %swap3A_434 = arith.index_cast %rem3A_129 : i32 to index
        %swap3A_435 = arith.index_cast %add3A_372 : i32 to index
        %swap3A_436 = arith.constant 96 : index
        %swap3A_437 = tpu.vector_load %arg11[%swap3A_434, %swap3A_435, %swap3A_436] {strides = array<i32>} : memref<2x80x144xf32, #tpu.memory_space<vmem>>, vector<16xf32>,
        tpu.vector_store %arg11[%swap3A_434, %swap3A_435, %swap3A_436], %mul3A_433 {strides = array<i32>} : memref<2x80x144xf32, #tpu.memory_space<vmem>>, vector<16xf32>,
        %get3A_438 = arith.index_cast %rem3A_129 : i32 to index
        %get3A_439 = arith.index_cast %add3A_372 : i32 to index
        %get3A_440 = arith.constant 112 : index
        %get3A_441 = tpu.vector_load %arg11[%get3A_438, %get3A_439, %get3A_440] {strides = array<i32>} : memref<2x80x144xf32, #tpu.memory_space<vmem>>, vector<16xf32>,
        %mul3A_442 = arith.mulf %get3A_441, %gather3A_374 : vector<16xf32>
        %swap3A_443 = arith.index_cast %rem3A_129 : i32 to index
        %swap3A_444 = arith.index_cast %add3A_372 : i32 to index
        %swap3A_445 = arith.constant 112 : index
        %swap3A_446 = tpu.vector_load %arg11[%swap3A_443, %swap3A_444, %swap3A_445] {strides = array<i32>} : memref<2x80x144xf32, #tpu.memory_space<vmem>>, vector<16xf32>,
        tpu.vector_store %arg11[%swap3A_443, %swap3A_444, %swap3A_445], %mul3A_442 {strides = array<i32>} : memref<2x80x144xf32, #tpu.memory_space<vmem>>, vector<16xf32>,
        %get3A_447 = arith.index_cast %rem3A_129 : i32 to index
        %get3A_448 = arith.index_cast %add3A_372 : i32 to index
        %get3A_449 = arith.constant 128 : index
        %get3A_450 = tpu.vector_load %arg11[%get3A_447, %get3A_448, %get3A_449] {strides = array<i32>} : memref<2x80x144xf32, #tpu.memory_space<vmem>>, vector<16xf32>,
        %mul3A_451 = arith.mulf %get3A_450, %gather3A_374 : vector<16xf32>
        %swap3A_452 = arith.index_cast %rem3A_129 : i32 to index
        %swap3A_453 = arith.index_cast %add3A_372 : i32 to index
        %swap3A_454 = arith.constant 128 : index
        %swap3A_455 = tpu.vector_load %arg11[%swap3A_452, %swap3A_453, %swap3A_454] {strides = array<i32>} : memref<2x80x144xf32, #tpu.memory_space<vmem>>, vector<16xf32>,
        tpu.vector_store %arg11[%swap3A_452, %swap3A_453, %swap3A_454], %mul3A_451 {strides = array<i32>} : memref<2x80x144xf32, #tpu.memory_space<vmem>>, vector<16xf32>,
        %mul3A_456 = arith.constant 4 : i32
        %mul3A_457 = arith.muli %scan3A_281, %mul3A_456 : i32
        %add3A_458 = arith.constant 2 : i32
        %add3A_459 = arith.addi %mul3A_457, %add3A_458 : i32
        %broadcast_in_dim3A_460 = vector.broadcast %add3A_459 : i32 to vector<16xi32>
        %gather3A_461 = tpu.vector_load_idx %arg12[%broadcast_in_dim3A_460] : memref<80xf32, #tpu.memory_space<vmem>>[vector<16xi32>], vector<16xf32>,
        %get3A_462 = arith.index_cast %rem3A_129 : i32 to index
        %get3A_463 = arith.index_cast %add3A_459 : i32 to index
        %get3A_464 = arith.constant 0 : index
        %get3A_465 = tpu.vector_load %arg11[%get3A_462, %get3A_463, %get3A_464] {strides = array<i32>} : memref<2x80x144xf32, #tpu.memory_space<vmem>>, vector<16xf32>,
        %mul3A_466 = arith.mulf %get3A_465, %gather3A_461 : vector<16xf32>
        %swap3A_467 = arith.index_cast %rem3A_129 : i32 to index
        %swap3A_468 = arith.index_cast %add3A_459 : i32 to index
        %swap3A_469 = arith.constant 0 : index
        %swap3A_470 = tpu.vector_load %arg11[%swap3A_467, %swap3A_468, %swap3A_469] {strides = array<i32>} : memref<2x80x144xf32, #tpu.memory_space<vmem>>, vector<16xf32>,
        tpu.vector_store %arg11[%swap3A_467, %swap3A_468, %swap3A_469], %mul3A_466 {strides = array<i32>} : memref<2x80x144xf32, #tpu.memory_space<vmem>>, vector<16xf32>,
        %get3A_471 = arith.index_cast %rem3A_129 : i32 to index
        %get3A_472 = arith.index_cast %add3A_459 : i32 to index
        %get3A_473 = arith.constant 16 : index
        %get3A_474 = tpu.vector_load %arg11[%get3A_471, %get3A_472, %get3A_473] {strides = array<i32>} : memref<2x80x144xf32, #tpu.memory_space<vmem>>, vector<16xf32>,
        %mul3A_475 = arith.mulf %get3A_474, %gather3A_461 : vector<16xf32>
        %swap3A_476 = arith.index_cast %rem3A_129 : i32 to index
        %swap3A_477 = arith.index_cast %add3A_459 : i32 to index
        %swap3A_478 = arith.constant 16 : index
        %swap3A_479 = tpu.vector_load %arg11[%swap3A_476, %swap3A_477, %swap3A_478] {strides = array<i32>} : memref<2x80x144xf32, #tpu.memory_space<vmem>>, vector<16xf32>,
        tpu.vector_store %arg11[%swap3A_476, %swap3A_477, %swap3A_478], %mul3A_475 {strides = array<i32>} : memref<2x80x144xf32, #tpu.memory_space<vmem>>, vector<16xf32>,
        %get3A_480 = arith.index_cast %rem3A_129 : i32 to index
        %get3A_481 = arith.index_cast %add3A_459 : i32 to index
        %get3A_482 = arith.constant 32 : index
        %get3A_483 = tpu.vector_load %arg11[%get3A_480, %get3A_481, %get3A_482] {strides = array<i32>} : memref<2x80x144xf32, #tpu.memory_space<vmem>>, vector<16xf32>,
        %mul3A_484 = arith.mulf %get3A_483, %gather3A_461 : vector<16xf32>
        %swap3A_485 = arith.index_cast %rem3A_129 : i32 to index
        %swap3A_486 = arith.index_cast %add3A_459 : i32 to index
        %swap3A_487 = arith.constant 32 : index
        %swap3A_488 = tpu.vector_load %arg11[%swap3A_485, %swap3A_486, %swap3A_487] {strides = array<i32>} : memref<2x80x144xf32, #tpu.memory_space<vmem>>, vector<16xf32>,
        tpu.vector_store %arg11[%swap3A_485, %swap3A_486, %swap3A_487], %mul3A_484 {strides = array<i32>} : memref<2x80x144xf32, #tpu.memory_space<vmem>>, vector<16xf32>,
        %get3A_489 = arith.index_cast %rem3A_129 : i32 to index
        %get3A_490 = arith.index_cast %add3A_459 : i32 to index
        %get3A_491 = arith.constant 48 : index
        %get3A_492 = tpu.vector_load %arg11[%get3A_489, %get3A_490, %get3A_491] {strides = array<i32>} : memref<2x80x144xf32, #tpu.memory_space<vmem>>, vector<16xf32>,
        %mul3A_493 = arith.mulf %get3A_492, %gather3A_461 : vector<16xf32>
        %swap3A_494 = arith.index_cast %rem3A_129 : i32 to index
        %swap3A_495 = arith.index_cast %add3A_459 : i32 to index
        %swap3A_496 = arith.constant 48 : index
        %swap3A_497 = tpu.vector_load %arg11[%swap3A_494, %swap3A_495, %swap3A_496] {strides = array<i32>} : memref<2x80x144xf32, #tpu.memory_space<vmem>>, vector<16xf32>,
        tpu.vector_store %arg11[%swap3A_494, %swap3A_495, %swap3A_496], %mul3A_493 {strides = array<i32>} : memref<2x80x144xf32, #tpu.memory_space<vmem>>, vector<16xf32>,
        %get3A_498 = arith.index_cast %rem3A_129 : i32 to index
        %get3A_499 = arith.index_cast %add3A_459 : i32 to index
        %get3A_500 = arith.constant 64 : index
        %get3A_501 = tpu.vector_load %arg11[%get3A_498, %get3A_499, %get3A_500] {strides = array<i32>} : memref<2x80x144xf32, #tpu.memory_space<vmem>>, vector<16xf32>,
        %mul3A_502 = arith.mulf %get3A_501, %gather3A_461 : vector<16xf32>
        %swap3A_503 = arith.index_cast %rem3A_129 : i32 to index
        %swap3A_504 = arith.index_cast %add3A_459 : i32 to index
        %swap3A_505 = arith.constant 64 : index
        %swap3A_506 = tpu.vector_load %arg11[%swap3A_503, %swap3A_504, %swap3A_505] {strides = array<i32>} : memref<2x80x144xf32, #tpu.memory_space<vmem>>, vector<16xf32>,
        tpu.vector_store %arg11[%swap3A_503, %swap3A_504, %swap3A_505], %mul3A_502 {strides = array<i32>} : memref<2x80x144xf32, #tpu.memory_space<vmem>>, vector<16xf32>,
        %get3A_507 = arith.index_cast %rem3A_129 : i32 to index
        %get3A_508 = arith.index_cast %add3A_459 : i32 to index
        %get3A_509 = arith.constant 80 : index
        %get3A_510 = tpu.vector_load %arg11[%get3A_507, %get3A_508, %get3A_509] {strides = array<i32>} : memref<2x80x144xf32, #tpu.memory_space<vmem>>, vector<16xf32>,
        %mul3A_511 = arith.mulf %get3A_510, %gather3A_461 : vector<16xf32>
        %swap3A_512 = arith.index_cast %rem3A_129 : i32 to index
        %swap3A_513 = arith.index_cast %add3A_459 : i32 to index
        %swap3A_514 = arith.constant 80 : index
        %swap3A_515 = tpu.vector_load %arg11[%swap3A_512, %swap3A_513, %swap3A_514] {strides = array<i32>} : memref<2x80x144xf32, #tpu.memory_space<vmem>>, vector<16xf32>,
        tpu.vector_store %arg11[%swap3A_512, %swap3A_513, %swap3A_514], %mul3A_511 {strides = array<i32>} : memref<2x80x144xf32, #tpu.memory_space<vmem>>, vector<16xf32>,
        %get3A_516 = arith.index_cast %rem3A_129 : i32 to index
        %get3A_517 = arith.index_cast %add3A_459 : i32 to index
        %get3A_518 = arith.constant 96 : index
        %get3A_519 = tpu.vector_load %arg11[%get3A_516, %get3A_517, %get3A_518] {strides = array<i32>} : memref<2x80x144xf32, #tpu.memory_space<vmem>>, vector<16xf32>,
        %mul3A_520 = arith.mulf %get3A_519, %gather3A_461 : vector<16xf32>
        %swap3A_521 = arith.index_cast %rem3A_129 : i32 to index
        %swap3A_522 = arith.index_cast %add3A_459 : i32 to index
        %swap3A_523 = arith.constant 96 : index
        %swap3A_524 = tpu.vector_load %arg11[%swap3A_521, %swap3A_522, %swap3A_523] {strides = array<i32>} : memref<2x80x144xf32, #tpu.memory_space<vmem>>, vector<16xf32>,
        tpu.vector_store %arg11[%swap3A_521, %swap3A_522, %swap3A_523], %mul3A_520 {strides = array<i32>} : memref<2x80x144xf32, #tpu.memory_space<vmem>>, vector<16xf32>,
        %get3A_525 = arith.index_cast %rem3A_129 : i32 to index
        %get3A_526 = arith.index_cast %add3A_459 : i32 to index
        %get3A_527 = arith.constant 112 : index
        %get3A_528 = tpu.vector_load %arg11[%get3A_525, %get3A_526, %get3A_527] {strides = array<i32>} : memref<2x80x144xf32, #tpu.memory_space<vmem>>, vector<16xf32>,
        %mul3A_529 = arith.mulf %get3A_528, %gather3A_461 : vector<16xf32>
        %swap3A_530 = arith.index_cast %rem3A_129 : i32 to index
        %swap3A_531 = arith.index_cast %add3A_459 : i32 to index
        %swap3A_532 = arith.constant 112 : index
        %swap3A_533 = tpu.vector_load %arg11[%swap3A_530, %swap3A_531, %swap3A_532] {strides = array<i32>} : memref<2x80x144xf32, #tpu.memory_space<vmem>>, vector<16xf32>,
        tpu.vector_store %arg11[%swap3A_530, %swap3A_531, %swap3A_532], %mul3A_529 {strides = array<i32>} : memref<2x80x144xf32, #tpu.memory_space<vmem>>, vector<16xf32>,
        %get3A_534 = arith.index_cast %rem3A_129 : i32 to index
        %get3A_535 = arith.index_cast %add3A_459 : i32 to index
        %get3A_536 = arith.constant 128 : index
        %get3A_537 = tpu.vector_load %arg11[%get3A_534, %get3A_535, %get3A_536] {strides = array<i32>} : memref<2x80x144xf32, #tpu.memory_space<vmem>>, vector<16xf32>,
        %mul3A_538 = arith.mulf %get3A_537, %gather3A_461 : vector<16xf32>
        %swap3A_539 = arith.index_cast %rem3A_129 : i32 to index
        %swap3A_540 = arith.index_cast %add3A_459 : i32 to index
        %swap3A_541 = arith.constant 128 : index
        %swap3A_542 = tpu.vector_load %arg11[%swap3A_539, %swap3A_540, %swap3A_541] {strides = array<i32>} : memref<2x80x144xf32, #tpu.memory_space<vmem>>, vector<16xf32>,
        tpu.vector_store %arg11[%swap3A_539, %swap3A_540, %swap3A_541], %mul3A_538 {strides = array<i32>} : memref<2x80x144xf32, #tpu.memory_space<vmem>>, vector<16xf32>,
        %mul3A_543 = arith.constant 4 : i32
        %mul3A_544 = arith.muli %scan3A_281, %mul3A_543 : i32
        %add3A_545 = arith.constant 3 : i32
        %add3A_546 = arith.addi %mul3A_544, %add3A_545 : i32
        %broadcast_in_dim3A_547 = vector.broadcast %add3A_546 : i32 to vector<16xi32>
        %gather3A_548 = tpu.vector_load_idx %arg12[%broadcast_in_dim3A_547] : memref<80xf32, #tpu.memory_space<vmem>>[vector<16xi32>], vector<16xf32>,
        %get3A_549 = arith.index_cast %rem3A_129 : i32 to index
        %get3A_550 = arith.index_cast %add3A_546 : i32 to index
        %get3A_551 = arith.constant 0 : index
        %get3A_552 = tpu.vector_load %arg11[%get3A_549, %get3A_550, %get3A_551] {strides = array<i32>} : memref<2x80x144xf32, #tpu.memory_space<vmem>>, vector<16xf32>,
        %mul3A_553 = arith.mulf %get3A_552, %gather3A_548 : vector<16xf32>
        %swap3A_554 = arith.index_cast %rem3A_129 : i32 to index
        %swap3A_555 = arith.index_cast %add3A_546 : i32 to index
        %swap3A_556 = arith.constant 0 : index
        %swap3A_557 = tpu.vector_load %arg11[%swap3A_554, %swap3A_555, %swap3A_556] {strides = array<i32>} : memref<2x80x144xf32, #tpu.memory_space<vmem>>, vector<16xf32>,
        tpu.vector_store %arg11[%swap3A_554, %swap3A_555, %swap3A_556], %mul3A_553 {strides = array<i32>} : memref<2x80x144xf32, #tpu.memory_space<vmem>>, vector<16xf32>,
        %get3A_558 = arith.index_cast %rem3A_129 : i32 to index
        %get3A_559 = arith.index_cast %add3A_546 : i32 to index
        %get3A_560 = arith.constant 16 : index
        %get3A_561 = tpu.vector_load %arg11[%get3A_558, %get3A_559, %get3A_560] {strides = array<i32>} : memref<2x80x144xf32, #tpu.memory_space<vmem>>, vector<16xf32>,
        %mul3A_562 = arith.mulf %get3A_561, %gather3A_548 : vector<16xf32>
        %swap3A_563 = arith.index_cast %rem3A_129 : i32 to index
        %swap3A_564 = arith.index_cast %add3A_546 : i32 to index
        %swap3A_565 = arith.constant 16 : index
        %swap3A_566 = tpu.vector_load %arg11[%swap3A_563, %swap3A_564, %swap3A_565] {strides = array<i32>} : memref<2x80x144xf32, #tpu.memory_space<vmem>>, vector<16xf32>,
        tpu.vector_store %arg11[%swap3A_563, %swap3A_564, %swap3A_565], %mul3A_562 {strides = array<i32>} : memref<2x80x144xf32, #tpu.memory_space<vmem>>, vector<16xf32>,
        %get3A_567 = arith.index_cast %rem3A_129 : i32 to index
        %get3A_568 = arith.index_cast %add3A_546 : i32 to index
        %get3A_569 = arith.constant 32 : index
        %get3A_570 = tpu.vector_load %arg11[%get3A_567, %get3A_568, %get3A_569] {strides = array<i32>} : memref<2x80x144xf32, #tpu.memory_space<vmem>>, vector<16xf32>,
        %mul3A_571 = arith.mulf %get3A_570, %gather3A_548 : vector<16xf32>
        %swap3A_572 = arith.index_cast %rem3A_129 : i32 to index
        %swap3A_573 = arith.index_cast %add3A_546 : i32 to index
        %swap3A_574 = arith.constant 32 : index
        %swap3A_575 = tpu.vector_load %arg11[%swap3A_572, %swap3A_573, %swap3A_574] {strides = array<i32>} : memref<2x80x144xf32, #tpu.memory_space<vmem>>, vector<16xf32>,
        tpu.vector_store %arg11[%swap3A_572, %swap3A_573, %swap3A_574], %mul3A_571 {strides = array<i32>} : memref<2x80x144xf32, #tpu.memory_space<vmem>>, vector<16xf32>,
        %get3A_576 = arith.index_cast %rem3A_129 : i32 to index
        %get3A_577 = arith.index_cast %add3A_546 : i32 to index
        %get3A_578 = arith.constant 48 : index
        %get3A_579 = tpu.vector_load %arg11[%get3A_576, %get3A_577, %get3A_578] {strides = array<i32>} : memref<2x80x144xf32, #tpu.memory_space<vmem>>, vector<16xf32>,
        %mul3A_580 = arith.mulf %get3A_579, %gather3A_548 : vector<16xf32>
        %swap3A_581 = arith.index_cast %rem3A_129 : i32 to index
        %swap3A_582 = arith.index_cast %add3A_546 : i32 to index
        %swap3A_583 = arith.constant 48 : index
        %swap3A_584 = tpu.vector_load %arg11[%swap3A_581, %swap3A_582, %swap3A_583] {strides = array<i32>} : memref<2x80x144xf32, #tpu.memory_space<vmem>>, vector<16xf32>,
        tpu.vector_store %arg11[%swap3A_581, %swap3A_582, %swap3A_583], %mul3A_580 {strides = array<i32>} : memref<2x80x144xf32, #tpu.memory_space<vmem>>, vector<16xf32>,
        %get3A_585 = arith.index_cast %rem3A_129 : i32 to index
        %get3A_586 = arith.index_cast %add3A_546 : i32 to index
        %get3A_587 = arith.constant 64 : index
        %get3A_588 = tpu.vector_load %arg11[%get3A_585, %get3A_586, %get3A_587] {strides = array<i32>} : memref<2x80x144xf32, #tpu.memory_space<vmem>>, vector<16xf32>,
        %mul3A_589 = arith.mulf %get3A_588, %gather3A_548 : vector<16xf32>
        %swap3A_590 = arith.index_cast %rem3A_129 : i32 to index
        %swap3A_591 = arith.index_cast %add3A_546 : i32 to index
        %swap3A_592 = arith.constant 64 : index
        %swap3A_593 = tpu.vector_load %arg11[%swap3A_590, %swap3A_591, %swap3A_592] {strides = array<i32>} : memref<2x80x144xf32, #tpu.memory_space<vmem>>, vector<16xf32>,
        tpu.vector_store %arg11[%swap3A_590, %swap3A_591, %swap3A_592], %mul3A_589 {strides = array<i32>} : memref<2x80x144xf32, #tpu.memory_space<vmem>>, vector<16xf32>,
        %get3A_594 = arith.index_cast %rem3A_129 : i32 to index
        %get3A_595 = arith.index_cast %add3A_546 : i32 to index
        %get3A_596 = arith.constant 80 : index
        %get3A_597 = tpu.vector_load %arg11[%get3A_594, %get3A_595, %get3A_596] {strides = array<i32>} : memref<2x80x144xf32, #tpu.memory_space<vmem>>, vector<16xf32>,
        %mul3A_598 = arith.mulf %get3A_597, %gather3A_548 : vector<16xf32>
        %swap3A_599 = arith.index_cast %rem3A_129 : i32 to index
        %swap3A_600 = arith.index_cast %add3A_546 : i32 to index
        %swap3A_601 = arith.constant 80 : index
        %swap3A_602 = tpu.vector_load %arg11[%swap3A_599, %swap3A_600, %swap3A_601] {strides = array<i32>} : memref<2x80x144xf32, #tpu.memory_space<vmem>>, vector<16xf32>,
        tpu.vector_store %arg11[%swap3A_599, %swap3A_600, %swap3A_601], %mul3A_598 {strides = array<i32>} : memref<2x80x144xf32, #tpu.memory_space<vmem>>, vector<16xf32>,
        %get3A_603 = arith.index_cast %rem3A_129 : i32 to index
        %get3A_604 = arith.index_cast %add3A_546 : i32 to index
        %get3A_605 = arith.constant 96 : index
        %get3A_606 = tpu.vector_load %arg11[%get3A_603, %get3A_604, %get3A_605] {strides = array<i32>} : memref<2x80x144xf32, #tpu.memory_space<vmem>>, vector<16xf32>,
        %mul3A_607 = arith.mulf %get3A_606, %gather3A_548 : vector<16xf32>
        %swap3A_608 = arith.index_cast %rem3A_129 : i32 to index
        %swap3A_609 = arith.index_cast %add3A_546 : i32 to index
        %swap3A_610 = arith.constant 96 : index
        %swap3A_611 = tpu.vector_load %arg11[%swap3A_608, %swap3A_609, %swap3A_610] {strides = array<i32>} : memref<2x80x144xf32, #tpu.memory_space<vmem>>, vector<16xf32>,
        tpu.vector_store %arg11[%swap3A_608, %swap3A_609, %swap3A_610], %mul3A_607 {strides = array<i32>} : memref<2x80x144xf32, #tpu.memory_space<vmem>>, vector<16xf32>,
        %get3A_612 = arith.index_cast %rem3A_129 : i32 to index
        %get3A_613 = arith.index_cast %add3A_546 : i32 to index
        %get3A_614 = arith.constant 112 : index
        %get3A_615 = tpu.vector_load %arg11[%get3A_612, %get3A_613, %get3A_614] {strides = array<i32>} : memref<2x80x144xf32, #tpu.memory_space<vmem>>, vector<16xf32>,
        %mul3A_616 = arith.mulf %get3A_615, %gather3A_548 : vector<16xf32>
        %swap3A_617 = arith.index_cast %rem3A_129 : i32 to index
        %swap3A_618 = arith.index_cast %add3A_546 : i32 to index
        %swap3A_619 = arith.constant 112 : index
        %swap3A_620 = tpu.vector_load %arg11[%swap3A_617, %swap3A_618, %swap3A_619] {strides = array<i32>} : memref<2x80x144xf32, #tpu.memory_space<vmem>>, vector<16xf32>,
        tpu.vector_store %arg11[%swap3A_617, %swap3A_618, %swap3A_619], %mul3A_616 {strides = array<i32>} : memref<2x80x144xf32, #tpu.memory_space<vmem>>, vector<16xf32>,
        %get3A_621 = arith.index_cast %rem3A_129 : i32 to index
        %get3A_622 = arith.index_cast %add3A_546 : i32 to index
        %get3A_623 = arith.constant 128 : index
        %get3A_624 = tpu.vector_load %arg11[%get3A_621, %get3A_622, %get3A_623] {strides = array<i32>} : memref<2x80x144xf32, #tpu.memory_space<vmem>>, vector<16xf32>,
        %mul3A_625 = arith.mulf %get3A_624, %gather3A_548 : vector<16xf32>
        %swap3A_626 = arith.index_cast %rem3A_129 : i32 to index
        %swap3A_627 = arith.index_cast %add3A_546 : i32 to index
        %swap3A_628 = arith.constant 128 : index
        %swap3A_629 = tpu.vector_load %arg11[%swap3A_626, %swap3A_627, %swap3A_628] {strides = array<i32>} : memref<2x80x144xf32, #tpu.memory_space<vmem>>, vector<16xf32>,
        tpu.vector_store %arg11[%swap3A_626, %swap3A_627, %swap3A_628], %mul3A_625 {strides = array<i32>} : memref<2x80x144xf32, #tpu.memory_space<vmem>>, vector<16xf32>,
      }
      %scan3A_266 = arith.constant 20 : i32
      %rem3A_267 = arith.constant 4 : i32
      %rem3A_268 = arith.remsi %scan3A_127, %rem3A_267 : i32
      %dma_start3A_269 = arith.constant 0 : i32
      %dma_start3A_270 = arith.constant 0 : i32
      %dma_start3A_271 = tpu.memref_slice %arg11[%rem3A_129, %dma_start3A_269, %dma_start3A_270] : memref<2x80x144xf32, #tpu.memory_space<vmem>> -> memref<1x80x144xf32, #tpu.memory_space<vmem>>
      %dma_start3A_272 = tpu.memref_squeeze %dma_start3A_271 : memref<1x80x144xf32, #tpu.memory_space<vmem>> -> memref<80x144xf32, #tpu.memory_space<vmem>>
      %dma_start3A_273 = arith.constant 0 : i32
      %dma_start3A_274 = tpu.memref_slice %arg8[%rem3A_268, %dma_start3A_273] : memref<4x80xi32, #tpu.memory_space<vmem>> -> memref<1x80xi32, #tpu.memory_space<vmem>>
      %dma_start3A_275 = tpu.memref_squeeze %dma_start3A_274 : memref<1x80xi32, #tpu.memory_space<vmem>> -> memref<80xi32, #tpu.memory_space<vmem>>
      %dma_start3A_276 = arith.constant 0 : i32
      %dma_start3A_277 = arith.constant 0 : i32
      %dma_start3A_278 = tpu.memref_slice %arg13[%dma_start3A_276, %dma_start3A_277] : memref<10000x144xf32, #tpu.memory_space<vmem_shared>> -> memref<10000x144xf32, #tpu.memory_space<vmem_shared>>
      %dma_start3A_279 = tpu.memref_slice %arg17[%rem3A_129] : memref<2x!tpu.dma_semaphore, #tpu.memory_space<semaphore_mem>> -> memref<1x!tpu.dma_semaphore, #tpu.memory_space<semaphore_mem>>
      %dma_start3A_280 = tpu.memref_squeeze %dma_start3A_279 : memref<1x!tpu.dma_semaphore, #tpu.memory_space<semaphore_mem>> -> memref<!tpu.dma_semaphore, #tpu.memory_space<semaphore_mem>>
      tpu.enqueue_indirect_dma source(%dma_start3A_272 : memref<80x144xf32, #tpu.memory_space<vmem>>) target(%dma_start3A_278 : memref<10000x144xf32, #tpu.memory_space<vmem_shared>>) offsets(%dma_start3A_275 : memref<80xi32, #tpu.memory_space<vmem>>) semaphore(%dma_start3A_280 : memref<!tpu.dma_semaphore, #tpu.memory_space<semaphore_mem>>) {add = true}
    }
    %scan3A_107 = arith.constant 125 : i32
    %rem3A_108 = arith.constant 124 : i32
    %rem3A_109 = arith.constant 2 : i32
    %rem3A_110 = arith.remsi %rem3A_108, %rem3A_109 : i32
    %rem3A_111 = arith.constant 124 : i32
    %rem3A_112 = arith.constant 4 : i32
    %rem3A_113 = arith.remsi %rem3A_111, %rem3A_112 : i32
    %dma_wait3A_114 = arith.constant 0 : i32
    %dma_wait3A_115 = arith.constant 0 : i32
    %dma_wait3A_116 = tpu.memref_slice %arg11[%rem3A_110, %dma_wait3A_114, %dma_wait3A_115] : memref<2x80x144xf32, #tpu.memory_space<vmem>> -> memref<1x80x144xf32, #tpu.memory_space<vmem>>
    %dma_wait3A_117 = tpu.memref_squeeze %dma_wait3A_116 : memref<1x80x144xf32, #tpu.memory_space<vmem>> -> memref<80x144xf32, #tpu.memory_space<vmem>>
    %dma_wait3A_118 = arith.constant 0 : i32
    %dma_wait3A_119 = tpu.memref_slice %arg8[%rem3A_113, %dma_wait3A_118] : memref<4x80xi32, #tpu.memory_space<vmem>> -> memref<1x80xi32, #tpu.memory_space<vmem>>
    %dma_wait3A_120 = tpu.memref_squeeze %dma_wait3A_119 : memref<1x80xi32, #tpu.memory_space<vmem>> -> memref<80xi32, #tpu.memory_space<vmem>>
    %dma_wait3A_121 = arith.constant 0 : i32
    %dma_wait3A_122 = arith.constant 0 : i32
    %dma_wait3A_123 = tpu.memref_slice %arg13[%dma_wait3A_121, %dma_wait3A_122] : memref<10000x144xf32, #tpu.memory_space<vmem_shared>> -> memref<10000x144xf32, #tpu.memory_space<vmem_shared>>
    %dma_wait3A_124 = tpu.memref_slice %arg17[%rem3A_110] : memref<2x!tpu.dma_semaphore, #tpu.memory_space<semaphore_mem>> -> memref<1x!tpu.dma_semaphore, #tpu.memory_space<semaphore_mem>>
    %dma_wait3A_125 = tpu.memref_squeeze %dma_wait3A_124 : memref<1x!tpu.dma_semaphore, #tpu.memory_space<semaphore_mem>> -> memref<!tpu.dma_semaphore, #tpu.memory_space<semaphore_mem>>
    tpu.wait_indirect_dma semaphore(%dma_wait3A_125 : memref<!tpu.dma_semaphore, #tpu.memory_space<semaphore_mem>>) src(%dma_wait3A_117 : memref<80x144xf32, #tpu.memory_space<vmem>>) dst(%dma_wait3A_123 : memref<10000x144xf32, #tpu.memory_space<vmem_shared>>)
    %barrier3A_126 = arith.constant 0 : index
    tpu.barrier barrier_id(%barrier3A_126)
    "tpu.region"() ({
      %run_scoped3A = tpu.sem_alloc : memref<!tpu.dma_semaphore, #tpu.memory_space<semaphore_mem>>
      %dma_start3A_127 = arith.constant 0 : i32
      %dma_start3A_128 = tpu.memref_slice %arg6[%arg0, %mul3A_2, %dma_start3A_127] : memref<2x10000x128xf32, #tpu.memory_space<hbm>> -> memref<1x625x128xf32, #tpu.memory_space<hbm>>
      %dma_start3A_129 = tpu.memref_squeeze %dma_start3A_128 : memref<1x625x128xf32, #tpu.memory_space<hbm>> -> memref<625x128xf32, #tpu.memory_space<hbm>>
      %dma_start3A_130 = arith.constant 0 : i32
      %dma_start3A_131 = tpu.memref_slice %arg13[%mul3A_2, %dma_start3A_130] : memref<10000x144xf32, #tpu.memory_space<vmem_shared>> -> memref<625x128xf32, #tpu.memory_space<vmem_shared>>
      tpu.enqueue_dma source(%dma_start3A_131 : memref<625x128xf32, #tpu.memory_space<vmem_shared>>) target(%dma_start3A_129 : memref<625x128xf32, #tpu.memory_space<hbm>>) target_semaphore(%run_scoped3A : memref<!tpu.dma_semaphore, #tpu.memory_space<semaphore_mem>>)
      %dma_wait3A_132 = arith.constant 0 : i32
      %dma_wait3A_133 = tpu.memref_slice %arg6[%arg0, %mul3A_2, %dma_wait3A_132] : memref<2x10000x128xf32, #tpu.memory_space<hbm>> -> memref<1x625x128xf32, #tpu.memory_space<hbm>>
      %dma_wait3A_134 = tpu.memref_squeeze %dma_wait3A_133 : memref<1x625x128xf32, #tpu.memory_space<hbm>> -> memref<625x128xf32, #tpu.memory_space<hbm>>
      %dma_wait3A_135 = arith.constant 0 : i32
      %dma_wait3A_136 = tpu.memref_slice %arg13[%mul3A_2, %dma_wait3A_135] : memref<10000x144xf32, #tpu.memory_space<vmem_shared>> -> memref<625x128xf32, #tpu.memory_space<vmem_shared>>
      tpu.wait_dma2 semaphore(%run_scoped3A : memref<!tpu.dma_semaphore, #tpu.memory_space<semaphore_mem>>) src(%dma_wait3A_136 : memref<625x128xf32, #tpu.memory_space<vmem_shared>>) dst(%dma_wait3A_134 : memref<625x128xf32, #tpu.memory_space<hbm>>)
      tpu.yield
    }) : () -> ()
    "tpu.region"() ({
      %run_scoped3A = tpu.sem_alloc : memref<!tpu.dma_semaphore, #tpu.memory_space<semaphore_mem>>
      %dma_start3A_127 = arith.constant 0 : i32
      %dma_start3A_128 = tpu.memref_slice %arg7[%arg0, %mul3A_2, %dma_start3A_127] : memref<2x10000x128xf32, #tpu.memory_space<hbm>> -> memref<1x625x16xf32, #tpu.memory_space<hbm>>
      %dma_start3A_129 = tpu.memref_squeeze %dma_start3A_128 : memref<1x625x16xf32, #tpu.memory_space<hbm>> -> memref<625x16xf32, #tpu.memory_space<hbm>>
      %dma_start3A_130 = arith.constant 128 : i32
      %dma_start3A_131 = tpu.memref_slice %arg13[%mul3A_2, %dma_start3A_130] : memref<10000x144xf32, #tpu.memory_space<vmem_shared>> -> memref<625x16xf32, #tpu.memory_space<vmem_shared>>
      tpu.enqueue_dma source(%dma_start3A_131 : memref<625x16xf32, #tpu.memory_space<vmem_shared>>) target(%dma_start3A_129 : memref<625x16xf32, #tpu.memory_space<hbm>>) target_semaphore(%run_scoped3A : memref<!tpu.dma_semaphore, #tpu.memory_space<semaphore_mem>>)
      %dma_wait3A_132 = arith.constant 0 : i32
      %dma_wait3A_133 = tpu.memref_slice %arg7[%arg0, %mul3A_2, %dma_wait3A_132] : memref<2x10000x128xf32, #tpu.memory_space<hbm>> -> memref<1x625x16xf32, #tpu.memory_space<hbm>>
      %dma_wait3A_134 = tpu.memref_squeeze %dma_wait3A_133 : memref<1x625x16xf32, #tpu.memory_space<hbm>> -> memref<625x16xf32, #tpu.memory_space<hbm>>
      %dma_wait3A_135 = arith.constant 128 : i32
      %dma_wait3A_136 = tpu.memref_slice %arg13[%mul3A_2, %dma_wait3A_135] : memref<10000x144xf32, #tpu.memory_space<vmem_shared>> -> memref<625x16xf32, #tpu.memory_space<vmem_shared>>
      tpu.wait_dma2 semaphore(%run_scoped3A : memref<!tpu.dma_semaphore, #tpu.memory_space<semaphore_mem>>) src(%dma_wait3A_136 : memref<625x16xf32, #tpu.memory_space<vmem_shared>>) dst(%dma_wait3A_134 : memref<625x16xf32, #tpu.memory_space<hbm>>)
      tpu.yield
    }) : () -> ()
    return
  }
}

module attributes {stable_mosaic.version = 14 : i64} {
  func.func @_prep_body(%arg0: i32, %arg1: memref<2048x128xf32, #tpu.memory_space<vmem>>, %arg2: memref<128x128xf32, #tpu.memory_space<vmem>>, %arg3: memref<1x128xf32, #tpu.memory_space<vmem>>, %arg4: memref<1x128xf32, #tpu.memory_space<vmem>>, %arg5: memref<1x128xf32, #tpu.memory_space<vmem>>, %arg6: memref<2048x144xf32, #tpu.memory_space<vmem>>, %arg7: memref<16x128xf32, #tpu.memory_space<vmem>>) attributes {dimension_semantics = [#tpu.dimension_semantics<arbitrary>], iteration_bounds = array<i64: 5>, scalar_prefetch = 0 : i64, scratch_operands = 0 : i64, tpu.core_type = #tpu.core_type<tc>, window_params = [{transform_indices = @transform_0, window_bounds = array<i64: 2048, 128>}, {pipeline_mode = #tpu.pipeline_mode<synchronous>, transform_indices = @transform_1, window_bounds = array<i64: 128, 128>}, {pipeline_mode = #tpu.pipeline_mode<synchronous>, transform_indices = @transform_2, window_bounds = array<i64: 1, 128>}, {pipeline_mode = #tpu.pipeline_mode<synchronous>, transform_indices = @transform_3, window_bounds = array<i64: 1, 128>}, {pipeline_mode = #tpu.pipeline_mode<synchronous>, transform_indices = @transform_4, window_bounds = array<i64: 1, 128>}, {transform_indices = @transform_5, window_bounds = array<i64: 2048, 144>}, {transform_indices = @transform_6, window_bounds = array<i64: 16, 128>}]} {
    %get3A = arith.constant 0 : index
    %get3A_0 = arith.constant 0 : index
    %get3A_1 = vector.load %arg1[%get3A, %get3A_0] : memref<2048x128xf32, #tpu.memory_space<vmem>>, vector<2048x128xf32>
    %get3A_2 = arith.constant 0 : index
    %get3A_3 = arith.constant 0 : index
    %get3A_4 = vector.load %arg2[%get3A_2, %get3A_3] : memref<128x128xf32, #tpu.memory_space<vmem>>, vector<128x128xf32>
    %dot_general3A = arith.constant dense<0.000000e+00> : vector<2048x128xf32>
    %dot_general3A_5 = tpu.matmul %get3A_1, %get3A_4, %dot_general3A {dimension_numbers = #tpu.dot_dimension_numbers<[1], [1], [0], [0], [0, 0, 1, 0], [], []>, transpose_lhs_hint = false} : vector<2048x128xf32>, vector<128x128xf32>, vector<2048x128xf32> -> vector<2048x128xf32>
    %get3A_6 = arith.constant 0 : index
    %get3A_7 = arith.constant 0 : index
    %get3A_8 = vector.load %arg3[%get3A_6, %get3A_7] : memref<1x128xf32, #tpu.memory_space<vmem>>, vector<1x128xf32>
    %add3A = vector.broadcast %get3A_8 : vector<1x128xf32> to vector<2048x128xf32>
    %add3A_9 = arith.addf %dot_general3A_5, %add3A : vector<2048x128xf32>
    %get3A_10 = arith.constant 0 : index
    %get3A_11 = arith.constant 0 : index
    %get3A_12 = vector.load %arg4[%get3A_10, %get3A_11] : memref<1x128xf32, #tpu.memory_space<vmem>>, vector<1x128xf32>
    %mul3A = vector.broadcast %get3A_12 : vector<1x128xf32> to vector<2048x128xf32>
    %mul3A_13 = arith.mulf %add3A_9, %mul3A : vector<2048x128xf32>
    %reduce_sum3A = arith.constant dense<0.000000e+00> : vector<2048xf32>
    %reduce_sum3A_14 = vector.multi_reduction <add>, %mul3A_13, %reduce_sum3A [1] : vector<2048x128xf32> to vector<2048xf32>
    %reshape3A = vector.shape_cast %reduce_sum3A_14 : vector<2048xf32> to vector<16x128xf32>
    %swap3A = arith.constant 0 : index
    %swap3A_15 = arith.constant 0 : index
    %swap3A_16 = vector.load %arg7[%swap3A, %swap3A_15] : memref<16x128xf32, #tpu.memory_space<vmem>>, vector<16x128xf32>
    tpu.vector_store %arg7[%swap3A, %swap3A_15], %reshape3A {strides = array<i32>} : memref<16x128xf32, #tpu.memory_space<vmem>>, vector<16x128xf32>,
    %get3A_17 = arith.constant 0 : index
    %get3A_18 = arith.constant 0 : index
    %get3A_19 = vector.load %arg5[%get3A_17, %get3A_18] : memref<1x128xf32, #tpu.memory_space<vmem>>, vector<1x128xf32>
    %mul3A_20 = vector.broadcast %get3A_19 : vector<1x128xf32> to vector<2048x128xf32>
    %mul3A_21 = arith.mulf %add3A_9, %mul3A_20 : vector<2048x128xf32>
    %reduce_sum3A_22 = arith.constant dense<0.000000e+00> : vector<2048xf32>
    %reduce_sum3A_23 = vector.multi_reduction <add>, %mul3A_21, %reduce_sum3A_22 [1] : vector<2048x128xf32> to vector<2048xf32>
    %broadcast_in_dim3A = vector.shape_cast %reduce_sum3A_23 : vector<2048xf32> to vector<2048x1xf32>
    %broadcast_in_dim3A_24 = arith.constant 1.000000e+00 : f32
    %broadcast_in_dim3A_25 = vector.broadcast %broadcast_in_dim3A_24 : f32 to vector<2048x1xf32>
    %broadcast_in_dim3A_26 = arith.constant 0.000000e+00 : f32
    %broadcast_in_dim3A_27 = vector.broadcast %broadcast_in_dim3A_26 : f32 to vector<2048x14xf32>
    %concatenate3A = tpu.concatenate %add3A_9, %broadcast_in_dim3A_25, %broadcast_in_dim3A, %broadcast_in_dim3A_27 in 1 : vector<2048x128xf32>, vector<2048x1xf32>, vector<2048x1xf32>, vector<2048x14xf32> -> vector<2048x144xf32>
    %swap3A_28 = arith.constant 0 : index
    %swap3A_29 = arith.constant 0 : index
    %swap3A_30 = vector.load %arg6[%swap3A_28, %swap3A_29] : memref<2048x144xf32, #tpu.memory_space<vmem>>, vector<2048x144xf32>
    tpu.vector_store %arg6[%swap3A_28, %swap3A_29], %concatenate3A {strides = array<i32>} : memref<2048x144xf32, #tpu.memory_space<vmem>>, vector<2048x144xf32>,
    return
  }
  func.func @transform_0(%arg0: i32) -> (i32, i32) {
    %c0_i32 = arith.constant 0 : i32
    %c0_i32_0 = arith.constant 0 : i32
    return %arg0, %c0_i32 : i32, i32
  }
  func.func @transform_1(%arg0: i32) -> (i32, i32) {
    %c0_i32 = arith.constant 0 : i32
    %c0_i32_0 = arith.constant 0 : i32
    %c0_i32_1 = arith.constant 0 : i32
    return %c0_i32, %c0_i32_0 : i32, i32
  }
  func.func @transform_2(%arg0: i32) -> (i32, i32) {
    %c0_i32 = arith.constant 0 : i32
    %c0_i32_0 = arith.constant 0 : i32
    %c0_i32_1 = arith.constant 0 : i32
    return %c0_i32, %c0_i32_0 : i32, i32
  }
  func.func @transform_3(%arg0: i32) -> (i32, i32) {
    %c0_i32 = arith.constant 0 : i32
    %c0_i32_0 = arith.constant 0 : i32
    %c0_i32_1 = arith.constant 0 : i32
    return %c0_i32, %c0_i32_0 : i32, i32
  }
  func.func @transform_4(%arg0: i32) -> (i32, i32) {
    %c0_i32 = arith.constant 0 : i32
    %c0_i32_0 = arith.constant 0 : i32
    %c0_i32_1 = arith.constant 0 : i32
    return %c0_i32, %c0_i32_0 : i32, i32
  }
  func.func @transform_5(%arg0: i32) -> (i32, i32) {
    %c0_i32 = arith.constant 0 : i32
    %c0_i32_0 = arith.constant 0 : i32
    return %arg0, %c0_i32 : i32, i32
  }
  func.func @transform_6(%arg0: i32) -> (i32, i32) {
    %c0_i32 = arith.constant 0 : i32
    %c0_i32_0 = arith.constant 0 : i32
    return %arg0, %c0_i32 : i32, i32
  }
}

module attributes {stable_mosaic.version = 14 : i64} {
  func.func @_combine_body(%arg0: i32, %arg1: memref<1x2000x128xf32, #tpu.memory_space<vmem>>, %arg2: memref<1x2000x128xf32, #tpu.memory_space<vmem>>, %arg3: memref<1x2000x128xf32, #tpu.memory_space<vmem>>, %arg4: memref<1x2000x128xf32, #tpu.memory_space<vmem>>, %arg5: memref<2000x128xf32, #tpu.memory_space<vmem>>) attributes {dimension_semantics = [#tpu.dimension_semantics<arbitrary>], iteration_bounds = array<i64: 5>, scalar_prefetch = 0 : i64, scratch_operands = 0 : i64, tpu.core_type = #tpu.core_type<tc>, window_params = [{transform_indices = @transform_0, window_bounds = array<i64: 1, 2000, 128>}, {transform_indices = @transform_1, window_bounds = array<i64: 1, 2000, 128>}, {transform_indices = @transform_2, window_bounds = array<i64: 1, 2000, 128>}, {transform_indices = @transform_3, window_bounds = array<i64: 1, 2000, 128>}, {transform_indices = @transform_4, window_bounds = array<i64: 2000, 128>}]} {
    %get3A = arith.constant 0 : index
    %get3A_0 = arith.constant 0 : index
    %get3A_1 = arith.constant 0 : index
    %get3A_2 = vector.load %arg1[%get3A, %get3A_0, %get3A_1] : memref<1x2000x128xf32, #tpu.memory_space<vmem>>, vector<1x2000x128xf32>
    %get3A_3 = vector.shape_cast %get3A_2 : vector<1x2000x128xf32> to vector<2000x128xf32>
    %get3A_4 = arith.constant 0 : index
    %get3A_5 = arith.constant 0 : index
    %get3A_6 = arith.constant 0 : index
    %get3A_7 = vector.load %arg2[%get3A_4, %get3A_5, %get3A_6] : memref<1x2000x128xf32, #tpu.memory_space<vmem>>, vector<1x2000x128xf32>
    %get3A_8 = vector.shape_cast %get3A_7 : vector<1x2000x128xf32> to vector<2000x128xf32>
    %add3A = arith.addf %get3A_3, %get3A_8 : vector<2000x128xf32>
    %get3A_9 = arith.constant 0 : index
    %get3A_10 = arith.constant 0 : index
    %get3A_11 = arith.constant 0 : index
    %get3A_12 = vector.load %arg3[%get3A_9, %get3A_10, %get3A_11] : memref<1x2000x128xf32, #tpu.memory_space<vmem>>, vector<1x2000x128xf32>
    %get3A_13 = vector.shape_cast %get3A_12 : vector<1x2000x128xf32> to vector<2000x128xf32>
    %slice3A = vector.extract_strided_slice %get3A_13 {offsets = [0, 0], sizes = [2000, 1], strides = [1, 1]} : vector<2000x128xf32> to vector<2000x1xf32>
    %get3A_14 = arith.constant 0 : index
    %get3A_15 = arith.constant 0 : index
    %get3A_16 = arith.constant 0 : index
    %get3A_17 = vector.load %arg4[%get3A_14, %get3A_15, %get3A_16] : memref<1x2000x128xf32, #tpu.memory_space<vmem>>, vector<1x2000x128xf32>
    %get3A_18 = vector.shape_cast %get3A_17 : vector<1x2000x128xf32> to vector<2000x128xf32>
    %slice3A_19 = vector.extract_strided_slice %get3A_18 {offsets = [0, 0], sizes = [2000, 1], strides = [1, 1]} : vector<2000x128xf32> to vector<2000x1xf32>
    %add3A_20 = arith.addf %slice3A, %slice3A_19 : vector<2000x1xf32>
    %add3A_21 = arith.constant 9.99999996E-13 : f32
    %add3A_22 = vector.broadcast %add3A_21 : f32 to vector<2000x1xf32>
    %add3A_23 = arith.addf %add3A_20, %add3A_22 : vector<2000x1xf32>
    %div3A = vector.broadcast %add3A_23 : vector<2000x1xf32> to vector<2000x128xf32>
    %div3A_24 = arith.divf %add3A, %div3A : vector<2000x128xf32>
    %swap3A = arith.constant 0 : index
    %swap3A_25 = arith.constant 0 : index
    %swap3A_26 = vector.load %arg5[%swap3A, %swap3A_25] : memref<2000x128xf32, #tpu.memory_space<vmem>>, vector<2000x128xf32>
    tpu.vector_store %arg5[%swap3A, %swap3A_25], %div3A_24 {strides = array<i32>} : memref<2000x128xf32, #tpu.memory_space<vmem>>, vector<2000x128xf32>,
    return
  }
  func.func @transform_0(%arg0: i32) -> (i32, i32, i32) {
    %c0_i32 = arith.constant 0 : i32
    %c0_i32_0 = arith.constant 0 : i32
    %c0_i32_1 = arith.constant 0 : i32
    return %c0_i32, %arg0, %c0_i32_0 : i32, i32, i32
  }
  func.func @transform_1(%arg0: i32) -> (i32, i32, i32) {
    %c1_i32 = arith.constant 1 : i32
    %c0_i32 = arith.constant 0 : i32
    %c0_i32_0 = arith.constant 0 : i32
    return %c1_i32, %arg0, %c0_i32 : i32, i32, i32
  }
  func.func @transform_2(%arg0: i32) -> (i32, i32, i32) {
    %c0_i32 = arith.constant 0 : i32
    %c0_i32_0 = arith.constant 0 : i32
    %c0_i32_1 = arith.constant 0 : i32
    return %c0_i32, %arg0, %c0_i32_0 : i32, i32, i32
  }
  func.func @transform_3(%arg0: i32) -> (i32, i32, i32) {
    %c1_i32 = arith.constant 1 : i32
    %c0_i32 = arith.constant 0 : i32
    %c0_i32_0 = arith.constant 0 : i32
    return %c1_i32, %arg0, %c0_i32 : i32, i32, i32
  }
  func.func @transform_4(%arg0: i32) -> (i32, i32) {
    %c0_i32 = arith.constant 0 : i32
    %c0_i32_0 = arith.constant 0 : i32
    return %arg0, %c0_i32 : i32, i32
  }
}

</mosaic_0001>

<sc_bundles>
// kernel: kernel.5.cloned.1.call-start
scs
__scs_entry_jumppad:
0x0: {  	(pc) =	sbr.rel $0x88, $3  }
0x1: {  	(tag) =	ssettag $0x0;
	lr =	simm.s32 $0x1  }
0x2: {  	[smem:$0x3F9C] =	sst lr;
	_ =	strace $0xD0000000  }
0x3: {  	_ = 	snop  }
0x4: {  	_ = 	snop  }
0x5: {  	_ = 	snop  }
0x6: {  	_ = 	snop  }
0x7: {  	_ = 	snop  }
__scs_overlays_trampoline_lowered:
0x8: {  	[smem:$0x3FAB] =	sst s0  }
0x9: {  	[smem:$0x3FAC] =	sst s1  }
0xa: {  	[smem:$0x3FAD] =	sst s2  }
0xb: {  	[smem:$0x3FAE] =	sst s3  }
0xc: {  	[smem:$0x3FAF] =	sst s4  }
0xd: {  	[smem:$0x3FB0] =	sst s5  }
0xe: {  	[smem:$0x3FB1] =	sst s6  }
0xf: {  	[smem:$0x3FB2] =	sst s7  }
0x10: {  	[smem:$0x3FB3] =	sst s8  }
0x11: {  	[smem:$0x3FB4] =	sst s9;
	s0 =	simm.s32 @!p0 $0x0  }
0x12: {  	s1 =	sld [smem:$0x3F9A];
	s0 =	simm.s32 @p0 $0x1  }
0x13: {  	[smem:$0x3FB5] =	sst s0;
	s0 =	simm.s32 @!p1 $0x0  }
0x14: {  	s2 =	sld [smem:$0x3F99];
	s0 =	simm.s32 @p1 $0x1  }
0x15: {  	[smem:$0x3FB6] =	sst s0;
	s0 =	simm.s32 @!p2 $0x0  }
0x16: {  	s3 =	sld [smem:$0x3FDB];
	s0 =	simm.s32 @p2 $0x1  }
0x17: {  	s4 =	simm.s32 $0x1BF5;
	[smem:$0x3FB8] =	sst s0  }
0x18: {  	s0 =	sld [smem:$0x3F9B];
	_ =	swait.ge [sflag:s4], $0x0  }
0x19: {  	s7 =	sld [smem:$0x3F9C]  }
0x1a: {  	s8 =	sadd.s32 $0xFFFFE003, lr  }
0x1b: {  	s9 =	sadd.s32 $0xFFFFFEF7, lr;
	s5 =	simm.s32 $0xFFFFFFFF;
	p2 =	slt.u32 s8, $0xFFFFF086  }
0x1c: {  	p1 =	slt.u32 s9, $0xF7A;
	s5 =	simm.s32 @!p2 $0x0  }
0x1d: {  	s5 =	simm.s32 @p1 $0x1;
	p0 =	seq.s32 s7, s2  }
0x1e: {  	s7 =	smul.u32 @!p0 $0xF7A, s2;
	p2 =	seq.s32 @!p0 s5, $0x0  }
0x1f: {  	s9 =	smul.u32 $0xF7A, s1;
	s8 =	simm.s32 @!p0 $0x1BF5;
	p2 =	por !p2, p0  }
0x20: {  	[sflag:s8] =	ssyncset.s32 @!p0 $0xFFFFF086;
	s6 =	sadd.s32 @!p0 s3, s7;
	s7 =	simm.s32 @!p0 $0x108  }
0x21: {  	s3 =	sadd.s32 s3, s9;
	s6 =	sadd.s32 @!p0 $0x88, s6;
	s7 =	simm.s32 @p2 $0x1082  }
0x22: {  	[simem:s7], [sflag:s8] =	dma.local @!p0 [hbm:s6], $0xF7A  }
0x23: {  	s9 =	sor.u32 $0xD0000000, s2;
	s6 =	simm.s32 $0x108;
	_ =	swait.ge @!p0 [sflag:s8], $0x0  }
0x24: {  	s3 =	sadd.s32 $0x88, s3;
	s6 =	simm.s32 @!p1 $0x1082;
	[sflag:s4] =	ssyncset.s32 $0xFFFFF086  }
0x25: {  	[simem:s6], [sflag:s4] =	dma.local [hbm:s3], $0xF7A  }
0x26: {  	[smem:$0x3F9C] =	sst s1;
	(tag) =	ssettag s2;
	_ =	strace s9  }
0x27: {  	s1 =	sld [smem:$0x3FAC]  }
0x28: {  	s2 =	sld [smem:$0x3FAD]  }
0x29: {  	s4 =	sld [smem:$0x3FAF]  }
0x2a: {  	p0 =	seq.s32 s5, $0x0;
	s5 =	sld [smem:$0x3FB0]  }
0x2b: {  	s6 =	sld [smem:$0x3FB1]  }
0x2c: {  	s7 =	sld [smem:$0x3FB2]  }
0x2d: {  	s3 =	simm.s32 $0x108;
	s8 =	sld [smem:$0x3FB3]  }
0x2e: {  	s3 =	simm.s32 @!p0 $0x1082;
	s9 =	sld [smem:$0x3FB4]  }
0x2f: {  	lr =	sadd.s32 s0, s3;
	s0 =	sld [smem:$0x3FAB]  }
0x30: {  	s3 =	sld [smem:$0x3FAE]  }
0x31: {  	[smem:$0x3FB7] =	sst s10  }
0x32: {  	s10 =	sld [smem:$0x3FB5];
	_ =	sdelay $0x3  }
0x33: {  	p0 =	seq.s32 s10, $0x1;
	s10 =	sld [smem:$0x3FB7];
	_ =	sdelay $0x3  }
0x34: {  	[smem:$0x3FB7] =	sst s10  }
0x35: {  	s10 =	sld [smem:$0x3FB6];
	_ =	sdelay $0x3  }
0x36: {  	p1 =	seq.s32 s10, $0x1;
	s10 =	sld [smem:$0x3FB7];
	_ =	sdelay $0x3  }
0x37: {  	[smem:$0x3FB7] =	sst s10  }
0x38: {  	s10 =	sld [smem:$0x3FB8]  }
0x39: {  	_ = 	snop;
	(pc) =	sbr.ind lr, $3  }
0x3a: {  	_ = 	snop  }
0x3b: {  	_ = 	snop  }
0x3c: {  	p2 =	seq.s32 s10, $0x1;
	s10 =	sld [smem:$0x3FB7]  }
0x3d: {  	_ =	shalt  }
0x3e: {  	_ =	shalt  }
0x3f: {  	_ =	shalt  }
0x40: {  	_ =	shalt  }
0x41: {  	_ =	shalt  }
0x42: {  	_ =	shalt  }
0x43: {  	_ =	shalt  }
0x44: {  	_ =	shalt  }
0x45: {  	_ =	shalt  }
0x46: {  	_ =	shalt  }
0x47: {  	_ =	shalt  }
0x48: {  	_ =	shalt  }
0x49: {  	_ =	shalt  }
0x4a: {  	_ =	shalt  }
0x4b: {  	_ =	shalt  }
0x4c: {  	_ =	shalt  }
0x4d: {  	_ =	shalt  }
0x4e: {  	_ =	shalt  }
0x4f: {  	_ =	shalt  }
0x50: {  	_ =	shalt  }
0x51: {  	_ =	shalt  }
0x52: {  	_ =	shalt  }
0x53: {  	_ =	shalt  }
0x54: {  	_ =	shalt  }
0x55: {  	_ =	shalt  }
0x56: {  	_ =	shalt  }
0x57: {  	_ =	shalt  }
0x58: {  	_ =	shalt  }
0x59: {  	_ =	shalt  }
0x5a: {  	_ =	shalt  }
0x5b: {  	_ =	shalt  }
0x5c: {  	_ =	shalt  }
0x5d: {  	_ =	shalt  }
0x5e: {  	_ =	shalt  }
0x5f: {  	_ =	shalt  }
0x60: {  	_ =	shalt  }
0x61: {  	_ =	shalt  }
0x62: {  	_ =	shalt  }
0x63: {  	_ =	shalt  }
0x64: {  	_ =	shalt  }
0x65: {  	_ =	shalt  }
0x66: {  	_ =	shalt  }
0x67: {  	_ =	shalt  }
0x68: {  	_ =	shalt  }
0x69: {  	_ =	shalt  }
0x6a: {  	_ =	shalt  }
0x6b: {  	_ =	shalt  }
0x6c: {  	_ =	shalt  }
0x6d: {  	_ =	shalt  }
0x6e: {  	_ =	shalt  }
0x6f: {  	_ =	shalt  }
0x70: {  	_ =	shalt  }
0x71: {  	_ =	shalt  }
0x72: {  	_ =	shalt  }
0x73: {  	_ =	shalt  }
0x74: {  	_ =	shalt  }
0x75: {  	_ =	shalt  }
0x76: {  	_ =	shalt  }
0x77: {  	_ =	shalt  }
0x78: {  	_ =	shalt  }
0x79: {  	_ =	shalt  }
0x7a: {  	_ =	shalt  }
0x7b: {  	_ =	shalt  }
0x7c: {  	_ =	shalt  }
0x7d: {  	_ =	shalt  }
0x7e: {  	_ =	shalt  }
0x7f: {  	_ =	shalt  }
0x80: {  	_ =	shalt  }
0x81: {  	_ =	shalt  }
0x82: {  	_ =	shalt  }
0x83: {  	_ =	shalt  }
0x84: {  	_ =	shalt  }
0x85: {  	_ =	shalt  }
0x86: {  	_ =	shalt  }
0x87: {  	_ =	shalt  }
.Lfunc_end0:
.L_simem_size_0:
called_computation_lowered:
.L_overlay_start_0:
0x88: {  	s2 =	sld [smem:$0x3FD9]  }
0x89: {  	s3 =	sld [smem:$0x3FFE];
	_ =	sdelay $0x1  }
0x8a: {  	s1 =	srdreg.scid  }
0x8b: {  	s0 =	sand.u32 $0x1, s1  }
0x8c: {  	s17 =	sshll.u32 s0, $0xA;
	s2 =	sadd.s32 s3, s2  }
0x8d: {  	s2 =	sadd.s32 s2, s17  }
0x8e: {  	[smem:$0x3FC3] =	sst s2  }
0x8f: {  	_ = 	snop  }
0x90: {  	s2 =	sld [smem:$0x3FD0];
	(tm) =	ssettm $0x1  }
0x91: {  	s18 =	sld [smem:$0x3FFB];
	_ =	sdelay $0x3  }
0x92: {  	_ =	strace s18  }
0x93: {  	s3 =	sld [smem:$0x3FFC];
	_ =	sdelay $0x3  }
0x94: {  	_ =	strace s3  }
0x95: {  	s3 =	sld [smem:$0x3FFD];
	_ =	sdelay $0x3  }
0x96: {  	_ =	strace s3  }
0x97: {  	_ =	strace $0x8FFFFFFF  }
0x98: {  	s19 =	sld [smem:$0x3FDB];
	_ =	sdelay $0x1  }
0x99: {  	s4 =	simm.s32 $_scs_section_size  }
0x9a: {  	s5 =	simm.s32 $_size__tile_overlayer_lowered;
	s6 =	simm.s32 $_tile_overlayer_lowered  }
0x9b: {  	s22 =	simm.s32 $0x1BFF;
	s21 =	sshll.u32 s6, $0x1;
	s3 =	sadd.s32 s4, s19  }
0x9c: {  	s7 =	simm.s32 $0x0;
	s20 =	sshll.u32 s5, $0x1;
	s5 =	sadd.s32 s21, s3  }
0x9d: {  	[timem:s7], [sflag:s22] =	dma.local [hbm:s5], s20  }
0x9e: {  	_ =	swait.ge [sflag:s22], s20  }
0x9f: {  	s4 =	ssub.s32 $0x0, s20;
	[sflag:s22] =	ssyncset.done $0x0  }
0xa0: {  	[sflag:s22] =	ssyncadd.s32 s4;
	_ =	sdelay $0x1  }
0xa1: {  	s23 =	simm.s32 $0x1B8B  }
0xa2: {  	_ =	swait.ge [sflag:s23], $0x1  }
0xa3: {  	[sflag:s23] =	ssyncset.done $0x0  }
0xa4: {  	s25 =	simm.s32 $0x1B8E;
	s24 =	sld [smem:$0x3FFE];
	[sflag:s23] =	ssyncadd.s32 $0xFFFFFFFF  }
0xa5: {  	s26 =	simm.s32 $execute0_lowered;
	[smem:$0x3FD2] =	sst s25  }
0xa6: {  	s5 =	sshll.u32 s26, $0x1;
	_ =	strace $0x80000046;
	[dreg:$0x1] =	wrdreg $0xFFFFFFFF  }
0xa7: {  	s28 =	simm.s32 $_size_execute0_lowered;
	s3 =	sadd.s32 s3, s5;
	[dreg:$0x0] =	wrdreg $0x0  }
0xa8: {  	s5 =	sshll.u32 s28, $0x1;
	[dreg:$0x2] =	wrdreg s3  }
0xa9: {  	[dreg:$0x3] =	wrdreg s5  }
0xaa: {  	[dreg:$0x4] =	wrdreg $0xC0  }
0xab: {  	_ =	task [dreg:s7], $0x5FFFF  }
0xac: {  	[dreg:$0x1] =	wrdreg $0xFFFFFFFF  }
0xad: {  	[dreg:$0x0] =	wrdreg $0x60  }
0xae: {  	[dreg:$0x2] =	wrdreg s24  }
0xaf: {  	[dreg:$0x3] =	wrdreg s2  }
0xb0: {  	[dreg:$0x4] =	wrdreg $0x84D00  }
0xb1: {  	[dreg:$0x5] =	wrdreg $0x9  }
0xb2: {  	_ =	task.clear_ibuf [dreg:s7], $0x6FFFF;
	_ =	strace $0x90000046  }
0xb3: {  	s29 =	simm.s32 $0x9;
	_ =	strace $0x80000048  }
0xb4: {  	_ =	swait.ge [sflag:s29], $0x1  }
0xb5: {  	[sflag:s29] =	ssyncadd.s32 $0xFFFFFFFF  }
0xb6: {  	_ =	strace $0x90000048  }
0xb7: {  	_ =	sfence  }
0xb8: {  	s30 =	sld [smem:$0x0];
	_ =	sdelay $0x2  }
0xb9: {  	s31 =	sshll.u32 s1, $0xD;
	s1 =	sshrl.u32 s1, $0x2  }
0xba: {  	s3 =	sand.u32 $0x4000, s31;
	s1 =	sadd.s32 s1, s30  }
0xbb: {  	s0 =	sor.u32 s3, s0;
	s1 =	sshll.u32 s1, $0x11  }
0xbc: {  	s0 =	sor.u32 s1, s0  }
0xbd: {  	s0 =	sadd.s32 $0x8F2B, s0  }
0xbe: {  	[sflag:s0] =	ssyncadd.remote.s32 $0x1  }
0xbf: {  	_ =	sfence.sel $0xFFFF  }
0xc0: {  	[dreg:$0x0] =	wrdreg $0xFFFFFFFF;
	(pc) =	sbr.abs _section_cstart, $3  }
0xc1: {  	[dreg:$0x1] =	wrdreg $0xFFFFFFFF  }
0xc2: {  	_ =	task.clear_ibuf [dreg:s7], $0x2FFFF;
	_ =	strace $0x9FFFFFFF  }
0xc3: {  	(tm) =	ssettm $0x7FFFFFFF  }
tec
execute0_lowered:
.L_overlay_start_1:
0x0: {  	(tag) =	ssettag $0x1  }
0x1: {  	s0 =	rddreg [dreg:$0x0]  }
0x2: {  	s1 =	rddreg [dreg:$0x1]  }
0x3: {  	s2 =	rddreg [dreg:$0x2];
	s3 =	srdreg.scid;
	s4 =	simm.s32 $0x0  }
0x4: {  	s10 =	stileid.u32;
	s28 =	simm.s32 $0x8480;
	s29 =	simm.s32 $0xB  }
0x5: {  	s30 =	simm.s32 $0x10;
	s31 =	simm.s32 $0x12;
	s3 =	sand.u32 $0x1, s3  }
0x6: {  	[smem:$0x7FF] =	sst s4;
	s7 =	smul.u32 $0x13880, s10;
	s5 =	sadd.s32 $0x1E00, s0  }
0x7: {  	s16 =	smul.u32 $0x57E40, s10;
	s9 =	sadd.s32 $0x1800, s0;
	s17 =	sadd.s32 $0x2EE00, s0  }
0x8: {  	s26 =	sshll.u32 s10, $0x6;
	_ =	strace $0x80000047;
	[dreg:$0x4] =	wrdreg s9  }
0x9: {  	s6 =	smul.u32 $0x138800, s3;
	s8 =	sshll.u32 s3, $0x4;
	[dreg:$0x5] =	wrdreg s17  }
0xa: {  	s3 =	ssub.s32 $0x2, s3;
	s17 =	simm.s32 $0xD;
	s15 =	sor.u32 s10, s8  }
0xb: {  	s18 =	sshrl.u32 s3, $0x1;
	s8 =	sshrl.u32 s16, $0x2;
	s16 =	simm.s32 $0x280  }
0xc: {  	s6 =	sadd.s32 s7, s6;
	s7 =	smul.u32 $0x2710, s15;
	s3 =	ssub.s32 s3, s18  }
0xd: {  	s20 =	sadd.s32 s8, s2;
	s18 =	sor.u32 $0x1C0D, s26;
	s6 =	sshrl.u32 s6, $0x3  }
0xe: {  	s25 =	sadd.s32 $0x80, s20;
	s15 =	smax.u32 s3, $0x1;
	s19 =	sshrl.u32 s7, $0x3  }
0xf: {  	s0 =	sadd.s32 s6, s0;
	s25 =	sshrl.u32 s25, $0x3;
	s9 =	sadd.s32 s1, s19  }
0x10: {  	v0 =	vlaneseq.u32;
	s24 =	sadd.s32 $0x31A00, s0;
	s14 =	sadd.s32 $0x7FC00, s0;
	s19 =	sshrl.u32 s20, $0x3  }
0x11: {  	v4 =	vmul.u32 $0x90, v0;
	s20 =	simm.s32 $0x140;
	s21 =	sadd.s32 $0x9C40, s9;
	[dreg:$0x9] =	wrdreg s24  }
0x12: {  	s0 =	simm.s32 $0x0;
	s22 =	sadd.s32 $0xA, s9;
	[dreg:$0x6] =	wrdreg s21  }
0x13: {  	v0 =	vadd.s32 $0x81, v4;
	v1 =	vadd.s32 $0x981, v4;
	s23 =	sadd.s32 $0x9C4A, s9;
	s24 =	simm.s32 $0x5;
	[dreg:$0x7] =	wrdreg s22  }
0x14: {  	v2 =	vadd.s32 $0x1281, v4;
	v3 =	vadd.s32 $0x1B81, v4;
	v4 =	vadd.s32 $0x2481, v4;
	[dreg:$0x8] =	wrdreg s23;
	s21 =	simm.s32 $0x50;
	s23 =	simm.s32 $0x1  }
.LBB2_1:
0x15: {  	s3 =	rddreg [dreg:$0x4]  }
0x16: {  	[tilespmem:s16], [sflag:$0xD] =	stream.linear.gather [hbm4b:s3+s4], $0x2800, $0x38;
	[tilespmem:$0x1E460] =	vst v63  }
0x17: {  	_ =	swait.ge [sflag:s17], $0x2800  }
0x18: {  	[sflag:s17] =	ssyncset.done $0x0  }
0x19: {  	s11 =	rddreg [dreg:$0x5];
	[sflag:s17] =	ssyncadd.s32 $0xFFFFD800  }
0x1a: {  	[spmem:s19], [sflag:s18] =	dma.local [hbm:s11], $0x2BF2  }
0x1b: {  	_ =	swait.ge [sflag:s17], $0x2BF2  }
0x1c: {  	[sflag:s17] =	ssyncset.done $0x0  }
0x1d: {  	[sflag:s17] =	ssyncadd.s32 $0xFFFFD40E  }
0x1e: {  	[bflag:$0x0] =	sbarrier.arrive $0xFFFF  }
0x1f: {  	[tilespmem:s4], [sflag:$0x1] =	stream.linear.gather [hbm4b:s9+s4], $0x50, $0x38;
	[tilespmem:$0x1E460] =	vst v63  }
0x20: {  	s12 =	rddreg [dreg:$0x6]  }
0x21: {  	[tilespmem:s20], [sflag:$0x5] =	stream.linear.gather [hbm4b:s12+s4], $0x50, $0x38;
	[tilespmem:$0x1E460] =	vst v63  }
0x22: {  	s13 =	rddreg [dreg:$0x7]  }
0x23: {  	[tilespmem:s21], [sflag:$0x2] =	stream.linear.gather [hbm4b:s13+s4], $0x50, $0x38;
	[tilespmem:$0x1E460] =	vst v63  }
0x24: {  	s6 =	simm.s32 $0x190;
	s22 =	rddreg [dreg:$0x8]  }
0x25: {  	[tilespmem:s6], [sflag:$0x6] =	stream.linear.gather [hbm4b:s22+s4], $0x50, $0x38;
	[tilespmem:$0x1E460] =	vst v63  }
0x26: {  	_ =	swait.ge [sflag:s23], $0x50  }
0x27: {  	[sflag:s23] =	ssyncset.done $0x0  }
0x28: {  	[sflag:s23] =	ssyncadd.s32 $0xFFFFFFB0  }
0x29: {  	_ =	swait.ge [sflag:s24], $0x50  }
0x2a: {  	[sflag:s24] =	ssyncset.done $0x0  }
0x2b: {  	s26 =	simm.s32 $0x2A80;
	s6 =	simm.s32 $0x0;
	[sflag:s24] =	ssyncadd.s32 $0xFFFFFFB0  }
0x2c: {  	[tilespmem:s26], [sflag:$0x9] =	stream.indirect.gather [hbm4b:s5+s21], $0x90, s20, s21, $0xb8;
	[tilespmem:$0x1E460] =	vst v63  }
.LBB2_2:
0x2d: {  	p0 =	sgt.u32 s6, $0x7A  }
.Ltmp0:
0x2e: {  	_ = 	snop;
	(pc) =	sbr.rel @p0 .LBB2_4-.Ltmp0, $2  }
0x2f: {  	_ =	sdelay $0x2  }
0x30: {  	s3 =	sand.u32 $0x1, s6  }
0x31: {  	s8 =	sadd.s32 $0x2, s6  }
0x32: {  	s10 =	smul.u32 $0x50, s8;
	_ =	sdelay $0x1  }
0x33: {  	s8 =	sand.u32 $0x3, s8;
	s10 =	sadd.s32 s7, s10  }
0x34: {  	s11 =	smul.u32 $0x50, s8;
	s10 =	sshrl.u32 s10, $0x3  }
.Ltmp1:
0x35: {  	s12 =	sadd.s32 $0x1, s8;
	s10 =	sadd.s32 s1, s10;
	(pc) =	sbr.rel .LBB2_5-.Ltmp1, $4  }
0x36: {  	[tilespmem:s11], [sflag:s12] =	stream.linear.gather [hbm4b:s10+s4], $0x50, $0x38;
	[tilespmem:$0x1E460] =	vst v63  }
0x37: {  	s8 =	sadd.s32 $0x5, s8;
	s11 =	sadd.s32 $0x140, s11;
	s10 =	sadd.s32 $0x9C40, s10  }
0x38: {  	[tilespmem:s11], [sflag:s8] =	stream.linear.gather [hbm4b:s10+s4], $0x50, $0x38;
	[tilespmem:$0x1E460] =	vst v63  }
0x39: {  	s8 =	sadd.s32 $0x1, s6  }
.LBB2_4:
0x3a: {  	p0 =	seq.s32 s6, $0x7C  }
.Ltmp2:
0x3b: {  	_ = 	snop;
	(pc) =	sbr.rel @p0 .LBB2_6-.Ltmp2, $2  }
0x3c: {  	_ =	sdelay $0x2  }
0x3d: {  	s8 =	simm.s32 $0x7C;
	s22 =	simm.s32 $0x7D  }
.LBB2_5:
0x3e: {  	s10 =	sand.u32 $0x3, s8  }
0x3f: {  	s11 =	sadd.s32 $0x1, s10  }
0x40: {  	_ =	swait.ge [sflag:s11], $0x50  }
0x41: {  	[sflag:s11] =	ssyncset.done $0x0  }
0x42: {  	s22 =	sadd.s32 $0x5, s10;
	s10 =	smul.u32 $0x140, s10;
	[sflag:s11] =	ssyncadd.s32 $0xFFFFFFB0  }
0x43: {  	s12 =	sxor.u32 $0x1, s3;
	_ =	swait.ge [sflag:s22], $0x50  }
0x44: {  	p0 =	seq.s32 s6, $0x0;
	s10 =	sshrl.u32 s10, $0x2;
	[sflag:s22] =	ssyncset.done $0x0  }
0x45: {  	s11 =	sadd.s32 @!p0 $0xB, s12;
	[sflag:s22] =	ssyncadd.s32 $0xFFFFFFB0;
	s22 =	smul.u32 $0xB400, s12  }
0x46: {  	s10 =	sadd.s32 $0x140, s10;
	_ =	swait.ge @!p0 [sflag:s11], $0x2D00  }
0x47: {  	s12 =	sadd.s32 $0x9, s12;
	[sflag:s11] =	ssyncset.done @!p0 $0x0;
	s26 =	sshrl.u32 s22, $0x2  }
0x48: {  	s22 =	smov.u32 s8;
	[sflag:s11] =	ssyncadd.s32 @!p0 $0xFFFFD300;
	s11 =	sadd.s32 $0x2A80, s26  }
0x49: {  	[tilespmem:s11], [sflag:s12] =	stream.indirect.gather [hbm4b:s5+s21], $0x90, s10, s21, $0xb8;
	[tilespmem:$0x1E460] =	vst v63  }
.LBB2_6:
0x4a: {  	s8 =	sadd.s32 $0x9, s3;
	s6 =	sand.u32 $0x3, s6  }
0x4b: {  	_ =	swait.ge [sflag:s8], $0x2D00;
	s6 =	smul.u32 $0x140, s6  }
0x4c: {  	[sflag:s8] =	ssyncset.done $0x0  }
0x4d: {  	[sflag:s8] =	ssyncadd.s32 $0xFFFFD300;
	s26 =	sshrl.u32 s6, $0x2  }
0x4e: {  	v5 =	vld [tilespmem:s26+$0x0];
	_ =	sdelay $0x3  }
0x4f: {  	s8 =	smul.u32 $0xB400, s3;
	_ =	sdelay $0x1  }
0x50: {  	s6 =	sshrl.u32 s8, $0x2  }
0x51: {  	v6 =	vld.idx.msk [tilespmem:v0+s6+$0x2A80], $0xffff  }
0x52: {  	v5 =	vld.idx.msk [tilespmem:v5+s16+$0x0], $0xffff;
	_ =	sdelay $0x4  }
0x53: {  	v5 =	vadd.f32 v5, v6;
	_ =	sdelay $0x1  }
0x54: {  	v6 =	vmul.f32 $1.000000010e-01, v5;
	_ =	sdelay $0x1  }
0x55: {  	v5 =	vmax.f32 v5, v6  }
0x56: {  	v5 =	vmul.f32 $1.442695020e+00, v5;
	_ =	sdelay $0x1  }
0x57: {  	(erf) = vpow2.f32 v5;
	_ =	sdelay $0x8  }
0x58: {  	v5 =	vpop (erf)  }
0x59: {  	[tilespmem:$0x8480] =	vst v5  }
0x5a: {  	v5 =	vld [tilespmem:s26+$0x10];
	_ =	sdelay $0x6  }
0x5b: {  	v6 =	vld.idx.msk [tilespmem:v1+s6+$0x2A80], $0xffff  }
0x5c: {  	v5 =	vld.idx.msk [tilespmem:v5+s16+$0x0], $0xffff;
	_ =	sdelay $0x4  }
0x5d: {  	v5 =	vadd.f32 v5, v6;
	_ =	sdelay $0x1  }
0x5e: {  	v6 =	vmul.f32 $1.000000010e-01, v5;
	_ =	sdelay $0x1  }
0x5f: {  	v5 =	vmax.f32 v5, v6  }
0x60: {  	v5 =	vmul.f32 $1.442695020e+00, v5;
	_ =	sdelay $0x1  }
0x61: {  	(erf) = vpow2.f32 v5;
	_ =	sdelay $0x8  }
0x62: {  	v5 =	vpop (erf)  }
0x63: {  	[tilespmem:$0x8490] =	vst v5  }
0x64: {  	v5 =	vld [tilespmem:s26+$0x20];
	_ =	sdelay $0x6  }
0x65: {  	v6 =	vld.idx.msk [tilespmem:v2+s6+$0x2A80], $0xffff  }
0x66: {  	v5 =	vld.idx.msk [tilespmem:v5+s16+$0x0], $0xffff;
	_ =	sdelay $0x4  }
0x67: {  	v5 =	vadd.f32 v5, v6;
	_ =	sdelay $0x1  }
0x68: {  	v6 =	vmul.f32 $1.000000010e-01, v5;
	_ =	sdelay $0x1  }
0x69: {  	v5 =	vmax.f32 v5, v6  }
0x6a: {  	v5 =	vmul.f32 $1.442695020e+00, v5;
	_ =	sdelay $0x1  }
0x6b: {  	(erf) = vpow2.f32 v5;
	_ =	sdelay $0x8  }
0x6c: {  	v5 =	vpop (erf)  }
0x6d: {  	[tilespmem:$0x84A0] =	vst v5  }
0x6e: {  	v5 =	vld [tilespmem:s26+$0x30];
	_ =	sdelay $0x6  }
0x6f: {  	v6 =	vld.idx.msk [tilespmem:v3+s6+$0x2A80], $0xffff  }
0x70: {  	v5 =	vld.idx.msk [tilespmem:v5+s16+$0x0], $0xffff;
	_ =	sdelay $0x4  }
0x71: {  	v5 =	vadd.f32 v5, v6;
	_ =	sdelay $0x1  }
0x72: {  	v6 =	vmul.f32 $1.000000010e-01, v5;
	_ =	sdelay $0x1  }
0x73: {  	v5 =	vmax.f32 v5, v6  }
0x74: {  	v5 =	vmul.f32 $1.442695020e+00, v5;
	_ =	sdelay $0x1  }
0x75: {  	(erf) = vpow2.f32 v5;
	_ =	sdelay $0x8  }
0x76: {  	v5 =	vpop (erf)  }
0x77: {  	[tilespmem:$0x84B0] =	vst v5  }
0x78: {  	v5 =	vld [tilespmem:s26+$0x40];
	_ =	sdelay $0x6  }
0x79: {  	v6 =	vld.idx.msk [tilespmem:v4+s6+$0x2A80], $0xffff  }
0x7a: {  	v5 =	vld.idx.msk [tilespmem:v5+s16+$0x0], $0xffff;
	_ =	sdelay $0x4  }
0x7b: {  	v5 =	vadd.f32 v5, v6;
	_ =	sdelay $0x1  }
0x7c: {  	v6 =	vmul.f32 $1.000000010e-01, v5;
	_ =	sdelay $0x1  }
0x7d: {  	v5 =	vmax.f32 v5, v6  }
0x7e: {  	v5 =	vmul.f32 $1.442695020e+00, v5;
	_ =	sdelay $0x1  }
0x7f: {  	(erf) = vpow2.f32 v5;
	_ =	sdelay $0x1  }
0x80: {  	s10 =	simm.s32 $0x0  }
0x81: {  	v5 =	vmov s10  }
0x82: {  	v5 =	vand.u32 $0xFFFFFFFC, v5  }
0x83: {  	v5 =	vbroadcast v5, $0x0;
	_ =	sdelay $0x3  }
0x84: {  	v6 =	vpop (erf)  }
0x85: {  	[tilespmem:$0x84C0] =	vst v6  }
0x86: {  	s12 =	sadd.s32 $0x2BA0, s6;
	v5 =	vld.idx.msk [tilespmem:v5+s28+$0x0], $0xffff  }
0x87: {  	v7 =	vld [tilespmem:s12+$0xFFFFFEE0]  }
0x88: {  	v8 =	vld [tilespmem:s12+$0xFFFFFF60]  }
0x89: {  	v9 =	vld [tilespmem:s12+$0xFFFFFF00]  }
0x8a: {  	v10 =	vld [tilespmem:s12+$0xFFFFFF10]  }
0x8b: {  	v6 =	vld [tilespmem:s12+$0xFFFFFF30]  }
0x8c: {  	v12 =	vld [tilespmem:s12+$0xFFFFFF50];
	v7 =	vmul.f32 v7, v5  }
0x8d: {  	v14 =	vld [tilespmem:s12+$0xFFFFFF20];
	v8 =	vmul.f32 v8, v5  }
0x8e: {  	s11 =	simm.s32 $0x1;
	v11 =	vld [tilespmem:s12+$0xFFFFFF40];
	v9 =	vmul.f32 v9, v5;
	[tilespmem:s12+$0xFFFFFEE0] =	vst v7  }
0x8f: {  	v13 =	vld [tilespmem:s12+$0xFFFFFEF0];
	v7 =	vmul.f32 v10, v5;
	[tilespmem:s12+$0xFFFFFF60] =	vst v8;
	v8 =	vmov s11  }
0x90: {  	v6 =	vmul.f32 v6, v5;
	[tilespmem:s12+$0xFFFFFF00] =	vst v9;
	v8 =	vand.u32 $0xFFFFFFFD, v8  }
0x91: {  	v9 =	vmul.f32 v12, v5;
	[tilespmem:s12+$0xFFFFFF10] =	vst v7;
	v7 =	vbroadcast v8, $0x0  }
0x92: {  	[tilespmem:s12+$0xFFFFFF30] =	vst v6;
	v6 =	vmul.f32 v14, v5  }
0x93: {  	v8 =	vmul.f32 v11, v5;
	[tilespmem:s12+$0xFFFFFF50] =	vst v9  }
0x94: {  	v9 =	vmul.f32 v13, v5;
	[tilespmem:s12+$0xFFFFFF20] =	vst v6  }
0x95: {  	[tilespmem:s12+$0xFFFFFF40] =	vst v8  }
0x96: {  	[tilespmem:s12+$0xFFFFFEF0] =	vst v9;
	v8 =	vld [tilespmem:s12+$0xFFFFFF70]  }
0x97: {  	v7 =	vld.idx.msk [tilespmem:v7+s28+$0x0], $0xffff  }
0x98: {  	v9 =	vld [tilespmem:s12+$0xFFFFFFE0]  }
0x99: {  	v10 =	vld [tilespmem:s12+$0xFFFFFF90]  }
0x9a: {  	v6 =	vld [tilespmem:s12+$0xFFFFFFC0]  }
0x9b: {  	v11 =	vld [tilespmem:s12+$0xFFFFFFA0]  }
0x9c: {  	v62 =	vld [tilespmem:s12+$0xFFFFFFF0];
	v8 =	vmul.f32 v8, v7  }
0x9d: {  	v61 =	vld [tilespmem:s12+$0xFFFFFFB0];
	v9 =	vmul.f32 v9, v7  }
0x9e: {  	s13 =	simm.s32 $0x2;
	v15 =	vld [tilespmem:s12+$0xFFFFFFD0];
	v10 =	vmul.f32 v10, v7;
	[tilespmem:s12+$0xFFFFFF70] =	vst v8  }
0x9f: {  	v63 =	vld [tilespmem:s12+$0xFFFFFF80];
	v6 =	vmul.f32 v6, v7;
	[tilespmem:s12+$0xFFFFFFE0] =	vst v9;
	v9 =	vmov s13  }
0xa0: {  	v8 =	vmul.f32 v11, v7;
	[tilespmem:s12+$0xFFFFFF90] =	vst v10;
	v9 =	vand.u32 $0xFFFFFFFE, v9  }
0xa1: {  	v10 =	vmul.f32 v62, v7;
	[tilespmem:s12+$0xFFFFFFC0] =	vst v6;
	v11 =	vbroadcast v9, $0x0  }
0xa2: {  	[tilespmem:s12+$0xFFFFFFA0] =	vst v8;
	v8 =	vmul.f32 v61, v7  }
0xa3: {  	v5 =	vld [tilespmem:s12+$0x0];
	v9 =	vmul.f32 v15, v7;
	[tilespmem:s12+$0xFFFFFFF0] =	vst v10  }
0xa4: {  	v6 =	vld [tilespmem:s12+$0x40];
	v7 =	vmul.f32 v63, v7;
	[tilespmem:s12+$0xFFFFFFB0] =	vst v8  }
0xa5: {  	[tilespmem:s12+$0xFFFFFFD0] =	vst v9;
	v9 =	vld [tilespmem:s12+$0x30]  }
0xa6: {  	s8 =	sadd.s32 $0x2A80, s6;
	[tilespmem:s12+$0xFFFFFF80] =	vst v7;
	v8 =	vld [tilespmem:s12+$0x80]  }
0xa7: {  	s6 =	smov.u32 s12;
	s10 =	simm.s32 $0x3;
	s11 =	simm.s32 $0x7;
	v7 =	vld.idx.msk [tilespmem:v11+s28+$0x0], $0xffff  }
.LBB2_7:
0xa8: {  	p0 =	sne.s32 s11, $0x4F  }
0xa9: {  	v10 =	vld [tilespmem:s12+$0x20];
	s6 =	sadd.s32 $0x240, s6;
	s13 =	smov.u32 s11;
	s11 =	sadd.s32 $0x4, s11  }
0xaa: {  	v11 =	vld [tilespmem:s12+$0x50]  }
0xab: {  	v12 =	vld [tilespmem:s12+$0x70]  }
0xac: {  	v13 =	vld [tilespmem:s12+$0x60];
	_ =	sdelay $0x1  }
0xad: {  	v5 =	vmul.f32 v5, v7;
	v6 =	vmul.f32 v6, v7  }
0xae: {  	v9 =	vmul.f32 v9, v7;
	v10 =	vmul.f32 v10, v7;
	v14 =	vld [tilespmem:s12+$0x10]  }
0xaf: {  	v11 =	vmul.f32 v11, v7;
	[tilespmem:s12+$0x0] =	vst v5;
	v12 =	vmul.f32 v12, v7  }
0xb0: {  	v8 =	vmul.f32 v8, v7;
	[tilespmem:s12+$0x30] =	vst v9;
	v9 =	vmul.f32 v13, v7  }
0xb1: {  	[tilespmem:s12+$0x20] =	vst v10  }
0xb2: {  	v5 =	vld [tilespmem:s6+$0x0];
	[tilespmem:s12+$0x40] =	vst v6  }
0xb3: {  	v6 =	vld [tilespmem:s6+$0x40];
	v7 =	vmul.f32 v14, v7;
	[tilespmem:s12+$0x80] =	vst v8;
	v8 =	vmov s10;
	s10 =	smov.u32 s13  }
0xb4: {  	[tilespmem:s12+$0x50] =	vst v11;
	v10 =	vld [tilespmem:s12+$0xB0]  }
0xb5: {  	[tilespmem:s12+$0x60] =	vst v9;
	v9 =	vld [tilespmem:s12+$0x90]  }
0xb6: {  	[tilespmem:s12+$0x10] =	vst v7;
	v7 =	vld [tilespmem:s12+$0xE0]  }
0xb7: {  	[tilespmem:s12+$0x70] =	vst v12;
	v11 =	vld [tilespmem:s12+$0xC0]  }
0xb8: {  	v8 =	vld.idx.msk [tilespmem:v8+s28+$0x0], $0xffff  }
0xb9: {  	v12 =	vld [tilespmem:s12+$0xA0]  }
0xba: {  	v13 =	vld [tilespmem:s12+$0x100]  }
0xbb: {  	v14 =	vld [tilespmem:s12+$0xD0]  }
0xbc: {  	v15 =	vld [tilespmem:s12+$0xF0]  }
0xbd: {  	v16 =	vld [tilespmem:s12+$0x110]  }
0xbe: {  	v9 =	vmul.f32 v9, v8;
	v12 =	vmul.f32 v12, v8  }
0xbf: {  	v10 =	vmul.f32 v10, v8;
	v11 =	vmul.f32 v11, v8  }
0xc0: {  	s13 =	sadd.s32 $0xFFFFFFFD, s10;
	v7 =	vmul.f32 v7, v8;
	[tilespmem:s12+$0x90] =	vst v9;
	v9 =	vmul.f32 v14, v8  }
0xc1: {  	v13 =	vmul.f32 v13, v8;
	v14 =	vmov s13;
	[tilespmem:s12+$0xB0] =	vst v10;
	v10 =	vmul.f32 v15, v8  }
0xc2: {  	v14 =	vand.u32 $0xFFFFFFFC, v14;
	[tilespmem:s12+$0xC0] =	vst v11;
	v8 =	vmul.f32 v16, v8  }
0xc3: {  	v11 =	vbroadcast v14, $0x0;
	[tilespmem:s12+$0xE0] =	vst v7  }
0xc4: {  	[tilespmem:s12+$0x110] =	vst v8  }
0xc5: {  	v7 =	vld [tilespmem:s6+$0xFFFFFF30];
	[tilespmem:s12+$0xD0] =	vst v9  }
0xc6: {  	v8 =	vld [tilespmem:s6+$0xFFFFFF10];
	[tilespmem:s12+$0x100] =	vst v13  }
0xc7: {  	v9 =	vld [tilespmem:s6+$0xFFFFFF40];
	[tilespmem:s12+$0xA0] =	vst v12  }
0xc8: {  	v12 =	vld [tilespmem:s6+$0xFFFFFF60];
	[tilespmem:s12+$0xF0] =	vst v10;
	s12 =	smov.u32 s6  }
0xc9: {  	v10 =	vld.idx.msk [tilespmem:v11+s28+$0x0], $0xffff  }
0xca: {  	v11 =	vld [tilespmem:s6+$0xFFFFFEE0]  }
0xcb: {  	v13 =	vld [tilespmem:s6+$0xFFFFFF00]  }
0xcc: {  	v14 =	vld [tilespmem:s6+$0xFFFFFEF0]  }
0xcd: {  	v15 =	vld [tilespmem:s6+$0xFFFFFF20]  }
0xce: {  	v16 =	vld [tilespmem:s6+$0xFFFFFF50]  }
0xcf: {  	v12 =	vmul.f32 v12, v10;
	v11 =	vmul.f32 v11, v10  }
0xd0: {  	v9 =	vmul.f32 v9, v10;
	v13 =	vmul.f32 v13, v10  }
0xd1: {  	s13 =	sadd.s32 $0xFFFFFFFE, s10;
	v8 =	vmul.f32 v8, v10;
	[tilespmem:s6+$0xFFFFFEE0] =	vst v11;
	v11 =	vmul.f32 v14, v10  }
0xd2: {  	v7 =	vmul.f32 v7, v10;
	v14 =	vmul.f32 v15, v10;
	[tilespmem:s6+$0xFFFFFF60] =	vst v12;
	v12 =	vmov s13  }
0xd3: {  	[tilespmem:s6+$0xFFFFFF00] =	vst v13;
	v10 =	vmul.f32 v16, v10;
	v12 =	vand.u32 $0xFFFFFFFD, v12  }
0xd4: {  	[tilespmem:s6+$0xFFFFFF10] =	vst v8;
	v8 =	vbroadcast v12, $0x0  }
0xd5: {  	[tilespmem:s6+$0xFFFFFF30] =	vst v7  }
0xd6: {  	[tilespmem:s6+$0xFFFFFF50] =	vst v10;
	v7 =	vld [tilespmem:s6+$0xFFFFFFC0]  }
0xd7: {  	[tilespmem:s6+$0xFFFFFF40] =	vst v9;
	v9 =	vld [tilespmem:s6+$0xFFFFFFD0]  }
0xd8: {  	[tilespmem:s6+$0xFFFFFF20] =	vst v14;
	v10 =	vld [tilespmem:s6+$0xFFFFFFA0]  }
0xd9: {  	[tilespmem:s6+$0xFFFFFEF0] =	vst v11;
	v11 =	vld [tilespmem:s6+$0xFFFFFFE0]  }
0xda: {  	v8 =	vld.idx.msk [tilespmem:v8+s28+$0x0], $0xffff  }
0xdb: {  	v12 =	vld [tilespmem:s6+$0xFFFFFF70]  }
0xdc: {  	v13 =	vld [tilespmem:s6+$0xFFFFFF90]  }
0xdd: {  	v14 =	vld [tilespmem:s6+$0xFFFFFFB0]  }
0xde: {  	v15 =	vld [tilespmem:s6+$0xFFFFFF80]  }
0xdf: {  	v16 =	vld [tilespmem:s6+$0xFFFFFFF0]  }
0xe0: {  	v11 =	vmul.f32 v11, v8;
	v12 =	vmul.f32 v12, v8  }
0xe1: {  	v10 =	vmul.f32 v10, v8;
	v13 =	vmul.f32 v13, v8  }
0xe2: {  	s13 =	sadd.s32 $0xFFFFFFFF, s10;
	v9 =	vmul.f32 v9, v8;
	[tilespmem:s6+$0xFFFFFF70] =	vst v12;
	v12 =	vmul.f32 v14, v8  }
0xe3: {  	v7 =	vmul.f32 v7, v8;
	v14 =	vmul.f32 v15, v8;
	[tilespmem:s6+$0xFFFFFFE0] =	vst v11;
	v11 =	vmov s13  }
0xe4: {  	[tilespmem:s6+$0xFFFFFF90] =	vst v13;
	v8 =	vmul.f32 v16, v8;
	v11 =	vand.u32 $0xFFFFFFFE, v11  }
0xe5: {  	[tilespmem:s6+$0xFFFFFFA0] =	vst v10;
	v10 =	vbroadcast v11, $0x0  }
0xe6: {  	[tilespmem:s6+$0xFFFFFFC0] =	vst v7  }
.Ltmp3:
0xe7: {  	[tilespmem:s6+$0xFFFFFFF0] =	vst v8;
	(pc) =	sbr.rel @p0 .LBB2_7-.Ltmp3, $4  }
0xe8: {  	[tilespmem:s6+$0xFFFFFFB0] =	vst v12  }
0xe9: {  	[tilespmem:s6+$0xFFFFFFD0] =	vst v9;
	v9 =	vld [tilespmem:s6+$0x30]  }
0xea: {  	[tilespmem:s6+$0xFFFFFF80] =	vst v14;
	v8 =	vld [tilespmem:s6+$0x80]  }
0xeb: {  	v7 =	vld.idx.msk [tilespmem:v10+s28+$0x0], $0xffff  }
0xec: {  	_ =	sdelay $0x2  }
0xed: {  	v10 =	vld [tilespmem:s12+$0x20]  }
0xee: {  	v11 =	vld [tilespmem:s12+$0x50];
	v5 =	vmul.f32 v5, v7  }
0xef: {  	v13 =	vld [tilespmem:s12+$0x10];
	v9 =	vmul.f32 v9, v7  }
0xf0: {  	v12 =	vld [tilespmem:s12+$0x60];
	v6 =	vmul.f32 v6, v7;
	[tilespmem:s12+$0x0] =	vst v5  }
0xf1: {  	v8 =	vmul.f32 v8, v7;
	v5 =	vld [tilespmem:s12+$0x70];
	[tilespmem:s12+$0x30] =	vst v9  }
0xf2: {  	v10 =	vmul.f32 v10, v7;
	[tilespmem:s12+$0x40] =	vst v6  }
0xf3: {  	v53 =	vmul.f32 v11, v7;
	[tilespmem:s12+$0x80] =	vst v8  }
0xf4: {  	v54 =	vmov s10;
	v55 =	vmul.f32 v13, v7;
	[tilespmem:s12+$0x20] =	vst v10  }
0xf5: {  	v6 =	vmul.f32 v12, v7;
	[tilespmem:s12+$0x50] =	vst v53  }
0xf6: {  	[tilespmem:s12+$0x10] =	vst v55;
	v5 =	vmul.f32 v5, v7  }
0xf7: {  	[tilespmem:s12+$0x60] =	vst v6  }
0xf8: {  	v6 =	vld [tilespmem:s12+$0x90];
	[tilespmem:s12+$0x70] =	vst v5  }
0xf9: {  	v5 =	vld.idx.msk [tilespmem:v54+s28+$0x0], $0xffff  }
0xfa: {  	v7 =	vld [tilespmem:s12+$0xB0]  }
0xfb: {  	v57 =	vld [tilespmem:s12+$0xC0]  }
0xfc: {  	v56 =	vld [tilespmem:s12+$0xE0]  }
0xfd: {  	v60 =	vld [tilespmem:s12+$0xD0]  }
0xfe: {  	v59 =	vld [tilespmem:s12+$0x110];
	v6 =	vmul.f32 v6, v5  }
0xff: {  	v61 =	vld [tilespmem:s12+$0x100];
	v7 =	vmul.f32 v7, v5  }
0x100: {  	v58 =	vld [tilespmem:s12+$0xA0];
	v9 =	vmul.f32 v57, v5;
	[tilespmem:s12+$0x90] =	vst v6  }
0x101: {  	v8 =	vmul.f32 v56, v5;
	v6 =	vld [tilespmem:s12+$0xF0];
	[tilespmem:s12+$0xB0] =	vst v7  }
0x102: {  	v62 =	vmul.f32 v60, v5;
	[tilespmem:s12+$0xC0] =	vst v9  }
0x103: {  	v7 =	vmul.f32 v59, v5;
	[tilespmem:s12+$0xE0] =	vst v8  }
0x104: {  	p0 =	slt.u32 s22, $0x7D;
	v63 =	vmul.f32 v61, v5;
	[tilespmem:s12+$0xD0] =	vst v62  }
.Ltmp4:
0x105: {  	[tilespmem:s12+$0x110] =	vst v7;
	v7 =	vmul.f32 v58, v5;
	(pc) =	sbr.rel @p0 .LBB2_2-.Ltmp4, $4  }
0x106: {  	[tilespmem:s12+$0x100] =	vst v63;
	v5 =	vmul.f32 v6, v5  }
0x107: {  	[tilespmem:s12+$0xA0] =	vst v7  }
0x108: {  	s3 =	sadd.s32 $0xB, s3;
	s6 =	smov.u32 s22;
	[tilespmem:s12+$0xF0] =	vst v5  }
0x109: {  	[spmem:s2] =	stream.indirect.scatter.add.f32 [tilespmem:s8], [sflag:s3], $0x90, s26, s21, $0xb8;
	[tilespmem:$0x1E460] =	vst v63  }
0x10a: {  	_ =	swait.ge [sflag:s29], $0x2D00  }
0x10b: {  	[sflag:s29] =	ssyncset.done $0x0  }
0x10c: {  	[sflag:s29] =	ssyncadd.s32 $0xFFFFD300  }
0x10d: {  	[bflag:$0x0] =	sbarrier.arrive $0xFFFF  }
0x10e: {  	s3 =	rddreg [dreg:$0x9]  }
0x10f: {  	[hbm:s3@s30], [sflag:s18] =	dma.strided [spmem:s19@s31], $0x2710, s23, $0x10   }
0x110: {  	s0 =	sadd.s32 $0x1, s0;
	_ =	swait.ge [sflag:s17], $0x2710  }
0x111: {  	p0 =	sne.s32 s0, s15;
	[sflag:s17] =	ssyncset.done $0x0  }
.Ltmp5:
0x112: {  	[sflag:s17] =	ssyncadd.s32 $0xFFFFD8F0;
	(pc) =	sbr.rel @p0 .LBB2_1-.Ltmp5, $4  }
0x113: {  	[hbm:s14@s30], [sflag:s18] =	dma.strided [spmem:s25@s31], $0x4E2, s23, $0x2   }
0x114: {  	_ =	swait.ge [sflag:s17], $0x4E2  }
0x115: {  	[sflag:s17] =	ssyncset.done $0x0  }
0x116: {  	[sflag:s17] =	ssyncadd.s32 $0xFFFFFB1E  }
0x117: {  	_ =	sfence.sel $0x180000  }
0x118: {  	[bflag:$0x0] =	sbarrier.arrive $0xFFFF  }
0x119: {  	_ =	strace $0x90000047  }
0x11a: {  	s0 =	stileid.u32;
	[bflag:$0x2] =	sbarrier.arrive $0xFFFF  }
0x11b: {  	p0 =	sne.s32 s0, $0x0;
	s0 =	rddreg [dreg:$0x3]  }
0x11c: {  	s0 =	sadd.s32 @!p0 $0x100000, s0  }
0x11d: {  	[sflag:s0] =	ssyncadd.tile.s32 @!p0 $0x1;
	_ =	shalt  }
.Lfunc_end2:
_tile_overlayer_lowered:
.L_overlay_start_2:
0x11e: {  	(tag) =	ssettag $0x2  }
0x11f: {  	s0 =	rddreg [dreg:$0x0];
	s2 =	stileid.u32  }
0x120: {  	s1 =	rddreg [dreg:$0x1];
	p0 =	sne.s32 s2, $0x0  }
0x121: {  	s3 =	rddreg [dreg:$0x2];
	[bflag:$0x3] =	sbarrier.arrive $0xFFFF;
	s2 =	simm.s32 @!p0 $0x1C0D  }
0x122: {  	[timem:s3], [sflag:s2] =	dma.local @!p0 [hbm:s0], s1  }
0x123: {  	s0 =	simm.s32 @!p0 $0xD  }
0x124: {  	_ =	swait.ge @!p0 [sflag:s0], s1  }
0x125: {  	s1 =	ssub.s32 @!p0 $0x0, s1;
	[sflag:s0] =	ssyncset.done @!p0 $0x0  }
0x126: {  	[sflag:s0] =	ssyncadd.s32 @!p0 s1  }
0x127: {  	[bflag:$0x3] =	sbarrier.arrive $0xFFFF  }
0x128: {  	_ =	shalt  }

</sc_bundles>
